<compile_context>
chip_gen: v7x
topology: tpu7x:2x2x1
jax: 0.10.2.dev20260603
libtpu: 0.0.44.dev20260713+nightly
codegen_flags: <defaults>
</compile_context>

<pallas_src>
import functools

import jax
import jax.numpy as jnp
from jax import lax
from jax.experimental import pallas as pl
from jax.experimental.pallas import tpu as pltpu
from jax.experimental.pallas import tpu_sc as plsc

N_NODES = 10000
N_EDGES = 320000
D = 128
DH = D // 2
BN_EPS = 1e-5

NC, NS = 2, 16
CHUNK = 128
N_PAD = 10240
ROWS_PT = N_PAD // NS
NBUF = 2
GEDGE = 400
NE_PT = N_EDGES // NS
N_GRP = NE_PT // GEDGE

_sc_mesh = plsc.VectorSubcoreMesh(core_axis_name="c", subcore_axis_name="s")
_sc_params = pltpu.CompilerParams(use_tc_tiling_on_sc=False)


@functools.partial(
    pl.kernel,
    out_type=jax.ShapeDtypeStruct((NC, N_PAD, 16), jnp.float32),
    mesh=_sc_mesh,
    compiler_params=_sc_params,
    scratch_types=[
        pltpu.VMEM((NE_PT,), jnp.int32),
        pltpu.VMEM((GEDGE, 16), jnp.float32),
        pltpu.VMEM((ROWS_PT, 16), jnp.float32),
        pltpu.VMEM_SHARED((N_PAD, 16), jnp.float32),
    ],
)
def _degree_kernel(edge_hbm, out_hbm, idx_v, ones_v, stage_v, deg_sh):
    c = lax.axis_index("c")
    s = lax.axis_index("s")

    def fill(r, _):
        ones_v[r, :] = jnp.ones((16,), jnp.float32)
        return _

    lax.fori_loop(0, GEDGE, fill, 0)

    def zrow(r, _):
        stage_v[r, :] = jnp.zeros((16,), jnp.float32)
        return _

    lax.fori_loop(0, ROWS_PT, zrow, 0)
    pltpu.sync_copy(stage_v, deg_sh.at[pl.ds(s * ROWS_PT, ROWS_PT)])
    plsc.subcore_barrier()

    pltpu.sync_copy(edge_hbm.at[c, s], idx_v)

    def body(j, _):
        pltpu.sync_copy(
            ones_v, deg_sh.at[idx_v.at[pl.ds(j * GEDGE, GEDGE)]], add=True)
        return _

    lax.fori_loop(0, N_GRP, body, 0)
    plsc.subcore_barrier()
    pltpu.sync_copy(deg_sh.at[pl.ds(s * ROWS_PT, ROWS_PT)], stage_v)
    pltpu.sync_copy(stage_v, out_hbm.at[c, pl.ds(s * ROWS_PT, ROWS_PT)])


@functools.partial(
    pl.kernel,
    out_type=jax.ShapeDtypeStruct((NC, N_PAD, DH), jnp.bfloat16),
    mesh=_sc_mesh,
    compiler_params=_sc_params,
    scratch_types=[
        pltpu.VMEM((NE_PT,), jnp.int32),
        pltpu.VMEM((NE_PT,), jnp.int32),
        [pltpu.VMEM((GEDGE, DH), jnp.bfloat16)] * NBUF,
        pltpu.VMEM_SHARED((N_PAD, DH), jnp.bfloat16),
        pltpu.VMEM_SHARED((N_PAD, DH), jnp.bfloat16),
        [pltpu.SemaphoreType.DMA] * NBUF,
    ],
)
def _segsum_kernel(u_hbm, src_hbm, dst_hbm, out_hbm,
                   src_v, dst_v, rows_bufs, agg_sh, u_sh, sems):
    c = lax.axis_index("c")
    s = lax.axis_index("s")

    stage_v = rows_bufs[0]
    _spans = ((0, GEDGE), (GEDGE, ROWS_PT - GEDGE))

    def zrow(r, _):
        for k in range(DH // 32):
            stage_v[r, pl.ds(k * 32, 32)] = jnp.zeros((32,), jnp.bfloat16)
        return _

    lax.fori_loop(0, GEDGE, zrow, 0)
    for off, ln in _spans:
        pltpu.sync_copy(stage_v.at[pl.ds(0, ln)],
                        agg_sh.at[pl.ds(s * ROWS_PT + off, ln)])
    sl = pl.ds(s * ROWS_PT, ROWS_PT)
    pltpu.sync_copy(u_hbm.at[c, sl], u_sh.at[sl])
    plsc.subcore_barrier()

    pltpu.sync_copy(src_hbm.at[s], src_v)
    pltpu.sync_copy(dst_hbm.at[s], dst_v)

    def _span(j):
        return pl.ds(j * GEDGE, GEDGE)

    def _table(b):
        return u_sh

    for b in range(NBUF):
        pltpu.async_copy(
            _table(b).at[src_v.at[_span(b)]], rows_bufs[b], sems[b])

    def body(i, _):
        for b in range(NBUF):
            j = i * NBUF + b
            pltpu.make_async_copy(
                _table(b).at[src_v.at[_span(j)]], rows_bufs[b],
                sems[b]).wait()
            pltpu.sync_copy(
                rows_bufs[b], agg_sh.at[dst_v.at[_span(j)]], add=True)

            @pl.when(j + NBUF < N_GRP)
            def _issue():
                pltpu.async_copy(
                    _table(b).at[src_v.at[_span(j + NBUF)]],
                    rows_bufs[b], sems[b])
        return _

    lax.fori_loop(0, N_GRP // NBUF, body, 0)
    plsc.subcore_barrier()
    for off, ln in _spans:
        pltpu.sync_copy(agg_sh.at[pl.ds(s * ROWS_PT + off, ln)],
                        stage_v.at[pl.ds(0, ln)])
        pltpu.sync_copy(stage_v.at[pl.ds(0, ln)],
                        out_hbm.at[c, pl.ds(s * ROWS_PT + off, ln)])


def _norm_col(deg16):
    d = deg16[:N_NODES, 0:1]
    return jnp.where(d > 0, lax.rsqrt(jnp.maximum(d, 1e-12)), 0.0)


def _split_u(u_ref, un):
    ub = un.astype(jnp.bfloat16)
    u_ref[0, :N_NODES, :] = ub[:, :DH]
    u_ref[1, :N_NODES, :] = ub[:, DH:]
    zpad = jnp.zeros((N_PAD - N_NODES, DH), jnp.bfloat16)
    u_ref[0, N_NODES:, :] = zpad
    u_ref[1, N_NODES:, :] = zpad


def _scale_body(deg_ref, x_ref, u_ref):
    _split_u(u_ref, x_ref[...] * _norm_col(deg_ref[0]))


_scale_call = pl.pallas_call(
    _scale_body,
    out_shape=jax.ShapeDtypeStruct((NC, N_PAD, DH), jnp.bfloat16),
)


def _post_body(with_u, aggp_ref, h_ref, deg_ref, wg_ref, bg_ref, wl_ref,
               bl_ref, gm_ref, bt_ref, *outs):
    agg = jnp.concatenate(
        [aggp_ref[0][:N_NODES], aggp_ref[1][:N_NODES]],
        axis=1).astype(jnp.float32)
    h = h_ref[...]
    norm_in = _norm_col(deg_ref[1])
    gcn = jnp.dot(agg, wg_ref[...], preferred_element_type=jnp.float32)
    gcn = gcn * norm_in + bg_ref[...]
    lin = jnp.dot(h, wl_ref[...], preferred_element_type=jnp.float32) + bl_ref[...]
    out = gcn + h + lin
    mean = jnp.mean(out, axis=0, keepdims=True)
    cen = out - mean
    var = jnp.mean(cen * cen, axis=0, keepdims=True)
    hn = cen * lax.rsqrt(var + BN_EPS) * gm_ref[...] + bt_ref[...]
    hn = jnp.maximum(hn, 0.0)
    outs[0][...] = hn
    if with_u:
        _split_u(outs[1], hn * _norm_col(deg_ref[0]))


_post_first = pl.pallas_call(
    functools.partial(_post_body, True),
    out_shape=[jax.ShapeDtypeStruct((N_NODES, D), jnp.float32),
               jax.ShapeDtypeStruct((NC, N_PAD, DH), jnp.bfloat16)],
)
_post_last = pl.pallas_call(
    functools.partial(_post_body, False),
    out_shape=[jax.ShapeDtypeStruct((N_NODES, D), jnp.float32)],
)


def kernel(x, edge_index, W_gcn, b_gcn, W_lin, b_lin, gamma, beta):
    edge_f = edge_index.reshape(2, NS, NE_PT)
    src_r = edge_f[0]
    dst_r = edge_f[1]
    deg16 = _degree_kernel(edge_f)
    u = _scale_call(deg16, x)
    h = x
    for l in range(2):
        aggp = _segsum_kernel(u, src_r, dst_r)
        args = (aggp, h, deg16, W_gcn[l], b_gcn[l].reshape(1, D),
                W_lin[l], b_lin[l].reshape(1, D), gamma[l].reshape(1, D),
                beta[l].reshape(1, D))
        if l == 0:
            h, u = _post_first(*args)
        else:
            (h,) = _post_last(*args)
    return h

# --- scband reference (transcript-rebuilt; emitter-appended) ---
"""Pipeline reference for scband-gcnhead-55748675502409 (READ-ONLY COPY).

The authoritative reference and input builder live on the scoring server;
editing this copy changes nothing except your own understanding.
"""

import jax, jax.numpy as jnp
import numpy as np

N_NODES = 10000
N_EDGES = 320000
D_MODEL = 128
N_LAYER = 2
BN_EPS = 1e-5


def setup_inputs(seed: int = 0) -> dict:
    key = jax.random.key(seed)
    ks = jax.random.split(key, 8)
    x = jax.random.normal(ks[0], (N_NODES, D_MODEL), dtype=jnp.float32)
    edge_index = jax.random.randint(ks[1], (2, N_EDGES), 0, N_NODES, dtype=jnp.int32)
    W_gcn = jax.random.normal(ks[2], (N_LAYER, D_MODEL, D_MODEL), dtype=jnp.float32) * 0.05
    b_gcn = jnp.zeros((N_LAYER, D_MODEL), dtype=jnp.float32)
    W_lin = jax.random.normal(ks[3], (N_LAYER, D_MODEL, D_MODEL), dtype=jnp.float32) * 0.05
    b_lin = jnp.zeros((N_LAYER, D_MODEL), dtype=jnp.float32)
    gamma = jnp.ones((N_LAYER, D_MODEL), dtype=jnp.float32)
    beta = jnp.zeros((N_LAYER, D_MODEL), dtype=jnp.float32)
    return {"x": x, "edge_index": edge_index, "W_gcn": W_gcn, "b_gcn": b_gcn,
            "W_lin": W_lin, "b_lin": b_lin, "gamma": gamma, "beta": beta}


def reference(x, edge_index, W_gcn, b_gcn, W_lin, b_lin, gamma, beta):
    # GCNHead: stack of GCNLayer (DGL GraphConv norm='both' + residual + linear + BN(train-mode math) + ReLU; dropout = identity in eval)
    src = edge_index[0]
    dst = edge_index[1]
    ones = jnp.ones((src.shape[0],), dtype=x.dtype)
    deg_out = jax.ops.segment_sum(ones, src, num_segments=N_NODES)
    deg_in = jax.ops.segment_sum(ones, dst, num_segments=N_NODES)
    norm_out = jnp.where(deg_out > 0, 1.0 / jnp.sqrt(jnp.maximum(deg_out, 1e-12)), 0.0)
    norm_in = jnp.where(deg_in > 0, 1.0 / jnp.sqrt(jnp.maximum(deg_in, 1e-12)), 0.0)
    h = x
    for l in range(N_LAYER):
        # GraphConv(norm='both'): D_out^{-1/2} scaling, message = h[src], sum-aggregate at dst, D_in^{-1/2} scaling
        g = h * norm_out[:, None]
        g = g @ W_gcn[l]
        agg = jax.ops.segment_sum(g[src], dst, num_segments=N_NODES)
        gcn_out = agg * norm_in[:, None] + b_gcn[l]
        out = gcn_out + h  # residual
        out = out + (h @ W_lin[l] + b_lin[l])  # add_linear branch
        # BatchNorm1d in training-mode math (batch statistics, biased variance)
        mean = out.mean(axis=0)
        var = out.var(axis=0)
        out = (out - mean) * jax.lax.rsqrt(var + BN_EPS) * gamma[l] + beta[l]
        h = jax.nn.relu(out)
        # Dropout(p=0.5) -> identity (eval mode)
    return h

if __name__ == "__main__":
    import jax
    _d = setup_inputs()
    print(jax.jit(kernel)(*tuple(_d.values())))

</pallas_src>

<mosaic_0001>
#map = affine_map<(d0, d1) -> (0, 0, 0)>
#map1 = affine_map<(d0, d1) -> (0, 0)>
module attributes {stable_mosaic.version = 14 : i64} {
  func.func @_segsum_kernel(%arg0: i32, %arg1: i32, %arg2: memref<2x10240x64xbf16, #tpu.memory_space<hbm>>, %arg3: memref<16x20000xi32, #tpu.memory_space<hbm>>, %arg4: memref<16x20000xi32, #tpu.memory_space<hbm>>, %arg5: memref<2x10240x64xbf16, #tpu.memory_space<hbm>>, %arg6: memref<20000xi32, #tpu.memory_space<vmem>>, %arg7: memref<20000xi32, #tpu.memory_space<vmem>>, %arg8: memref<400x64xbf16, #tpu.memory_space<vmem>>, %arg9: memref<400x64xbf16, #tpu.memory_space<vmem>>, %arg10: memref<10240x64xbf16, #tpu.memory_space<vmem_shared>>, %arg11: memref<10240x64xbf16, #tpu.memory_space<vmem_shared>>, %arg12: memref<!tpu.dma_semaphore, #tpu.memory_space<semaphore_mem>>, %arg13: memref<!tpu.dma_semaphore, #tpu.memory_space<semaphore_mem>>) attributes {dimension_semantics = [#tpu.dimension_semantics<core_parallel>, #tpu.dimension_semantics<subcore_parallel>], iteration_bounds = array<i64: 2, 16>, scalar_prefetch = 0 : i64, scratch_operands = 8 : i64, tpu.core_type = #tpu.core_type<sc_vector_subcore>, window_params = [{transform_indices = #map}, {transform_indices = #map1}, {transform_indices = #map1}, {transform_indices = #map}]} {
    %scan3A = arith.constant 0 : i32
    %scan3A_0 = arith.constant 0 : i32
    %scan3A_1 = arith.constant 400 : i32
    %scan3A_2 = arith.addi %scan3A_0, %scan3A_1 : i32
    %scan3A_3 = arith.constant 1 : i32
    scf.for %scan3A_45 = %scan3A_0 to %scan3A_2 step %scan3A_3  : i32 {
      %broadcast_in_dim3A = arith.constant 0.000000e+00 : bf16
      %broadcast_in_dim3A_46 = vector.broadcast %broadcast_in_dim3A : bf16 to vector<32xbf16>
      %swap3A = arith.index_cast %scan3A_45 : i32 to index
      %swap3A_47 = arith.constant 0 : index
      %swap3A_48 = tpu.vector_load %arg8[%swap3A, %swap3A_47] {strides = array<i32>} : memref<400x64xbf16, #tpu.memory_space<vmem>>, vector<1x32xbf16>,
      %swap3A_49 = vector.shape_cast %swap3A_48 : vector<1x32xbf16> to vector<32xbf16>
      %swap3A_50 = vector.shape_cast %broadcast_in_dim3A_46 : vector<32xbf16> to vector<1x32xbf16>
      tpu.vector_store %arg8[%swap3A, %swap3A_47], %swap3A_50 {strides = array<i32>} : memref<400x64xbf16, #tpu.memory_space<vmem>>, vector<1x32xbf16>,
      %broadcast_in_dim3A_51 = arith.constant 0.000000e+00 : bf16
      %broadcast_in_dim3A_52 = vector.broadcast %broadcast_in_dim3A_51 : bf16 to vector<32xbf16>
      %swap3A_53 = arith.index_cast %scan3A_45 : i32 to index
      %swap3A_54 = arith.constant 32 : index
      %swap3A_55 = tpu.vector_load %arg8[%swap3A_53, %swap3A_54] {strides = array<i32>} : memref<400x64xbf16, #tpu.memory_space<vmem>>, vector<1x32xbf16>,
      %swap3A_56 = vector.shape_cast %swap3A_55 : vector<1x32xbf16> to vector<32xbf16>
      %swap3A_57 = vector.shape_cast %broadcast_in_dim3A_52 : vector<32xbf16> to vector<1x32xbf16>
      tpu.vector_store %arg8[%swap3A_53, %swap3A_54], %swap3A_57 {strides = array<i32>} : memref<400x64xbf16, #tpu.memory_space<vmem>>, vector<1x32xbf16>,
    }
    %scan3A_4 = arith.constant 400 : i32
    %mul3A = arith.constant 640 : i32
    %mul3A_5 = arith.muli %arg1, %mul3A : i32
    %add3A = arith.constant 0 : i32
    %add3A_6 = arith.addi %mul3A_5, %add3A : i32
    "tpu.region"() ({
      %run_scoped3A = tpu.sem_alloc : memref<!tpu.dma_semaphore, #tpu.memory_space<semaphore_mem>>
      %dma_start3A_45 = arith.constant 0 : i32
      %dma_start3A_46 = arith.constant 0 : i32
      %dma_start3A_47 = tpu.memref_slice %arg8[%dma_start3A_45, %dma_start3A_46] : memref<400x64xbf16, #tpu.memory_space<vmem>> -> memref<400x64xbf16, #tpu.memory_space<vmem>>
      %dma_start3A_48 = arith.constant 0 : i32
      %dma_start3A_49 = tpu.memref_slice %arg10[%add3A_6, %dma_start3A_48] : memref<10240x64xbf16, #tpu.memory_space<vmem_shared>> -> memref<400x64xbf16, #tpu.memory_space<vmem_shared>>
      %dma_start3A_50 = arith.constant 0 : i32
      %dma_start3A_51 = tpu.memref_slice %arg10[%add3A_6, %dma_start3A_50] : memref<10240x64xbf16, #tpu.memory_space<vmem_shared>> -> memref<400x64xbf16, #tpu.memory_space<vmem_shared>>
      %dma_start3A_52 = arith.constant 0 : i32
      %dma_start3A_53 = arith.constant 0 : i32
      %dma_start3A_54 = tpu.memref_slice %arg8[%dma_start3A_52, %dma_start3A_53] : memref<400x64xbf16, #tpu.memory_space<vmem>> -> memref<400x64xbf16, #tpu.memory_space<vmem>>
      tpu.enqueue_dma source(%dma_start3A_54 : memref<400x64xbf16, #tpu.memory_space<vmem>>) target(%dma_start3A_51 : memref<400x64xbf16, #tpu.memory_space<vmem_shared>>) target_semaphore(%run_scoped3A : memref<!tpu.dma_semaphore, #tpu.memory_space<semaphore_mem>>)
      %dma_wait3A = arith.constant 0 : i32
      %dma_wait3A_55 = arith.constant 0 : i32
      %dma_wait3A_56 = tpu.memref_slice %arg8[%dma_wait3A, %dma_wait3A_55] : memref<400x64xbf16, #tpu.memory_space<vmem>> -> memref<400x64xbf16, #tpu.memory_space<vmem>>
      %dma_wait3A_57 = arith.constant 0 : i32
      %dma_wait3A_58 = tpu.memref_slice %arg10[%add3A_6, %dma_wait3A_57] : memref<10240x64xbf16, #tpu.memory_space<vmem_shared>> -> memref<400x64xbf16, #tpu.memory_space<vmem_shared>>
      %dma_wait3A_59 = arith.constant 0 : i32
      %dma_wait3A_60 = tpu.memref_slice %arg10[%add3A_6, %dma_wait3A_59] : memref<10240x64xbf16, #tpu.memory_space<vmem_shared>> -> memref<400x64xbf16, #tpu.memory_space<vmem_shared>>
      %dma_wait3A_61 = arith.constant 0 : i32
      %dma_wait3A_62 = arith.constant 0 : i32
      %dma_wait3A_63 = tpu.memref_slice %arg8[%dma_wait3A_61, %dma_wait3A_62] : memref<400x64xbf16, #tpu.memory_space<vmem>> -> memref<400x64xbf16, #tpu.memory_space<vmem>>
      tpu.wait_dma2 semaphore(%run_scoped3A : memref<!tpu.dma_semaphore, #tpu.memory_space<semaphore_mem>>) src(%dma_wait3A_63 : memref<400x64xbf16, #tpu.memory_space<vmem>>) dst(%dma_wait3A_60 : memref<400x64xbf16, #tpu.memory_space<vmem_shared>>)
      tpu.yield
    }) : () -> ()
    %mul3A_7 = arith.constant 640 : i32
    %mul3A_8 = arith.muli %arg1, %mul3A_7 : i32
    %add3A_9 = arith.constant 400 : i32
    %add3A_10 = arith.addi %mul3A_8, %add3A_9 : i32
    "tpu.region"() ({
      %run_scoped3A = tpu.sem_alloc : memref<!tpu.dma_semaphore, #tpu.memory_space<semaphore_mem>>
      %dma_start3A_45 = arith.constant 0 : i32
      %dma_start3A_46 = arith.constant 0 : i32
      %dma_start3A_47 = tpu.memref_slice %arg8[%dma_start3A_45, %dma_start3A_46] : memref<400x64xbf16, #tpu.memory_space<vmem>> -> memref<240x64xbf16, #tpu.memory_space<vmem>>
      %dma_start3A_48 = arith.constant 0 : i32
      %dma_start3A_49 = tpu.memref_slice %arg10[%add3A_10, %dma_start3A_48] : memref<10240x64xbf16, #tpu.memory_space<vmem_shared>> -> memref<240x64xbf16, #tpu.memory_space<vmem_shared>>
      %dma_start3A_50 = arith.constant 0 : i32
      %dma_start3A_51 = tpu.memref_slice %arg10[%add3A_10, %dma_start3A_50] : memref<10240x64xbf16, #tpu.memory_space<vmem_shared>> -> memref<240x64xbf16, #tpu.memory_space<vmem_shared>>
      %dma_start3A_52 = arith.constant 0 : i32
      %dma_start3A_53 = arith.constant 0 : i32
      %dma_start3A_54 = tpu.memref_slice %arg8[%dma_start3A_52, %dma_start3A_53] : memref<400x64xbf16, #tpu.memory_space<vmem>> -> memref<240x64xbf16, #tpu.memory_space<vmem>>
      tpu.enqueue_dma source(%dma_start3A_54 : memref<240x64xbf16, #tpu.memory_space<vmem>>) target(%dma_start3A_51 : memref<240x64xbf16, #tpu.memory_space<vmem_shared>>) target_semaphore(%run_scoped3A : memref<!tpu.dma_semaphore, #tpu.memory_space<semaphore_mem>>)
      %dma_wait3A = arith.constant 0 : i32
      %dma_wait3A_55 = arith.constant 0 : i32
      %dma_wait3A_56 = tpu.memref_slice %arg8[%dma_wait3A, %dma_wait3A_55] : memref<400x64xbf16, #tpu.memory_space<vmem>> -> memref<240x64xbf16, #tpu.memory_space<vmem>>
      %dma_wait3A_57 = arith.constant 0 : i32
      %dma_wait3A_58 = tpu.memref_slice %arg10[%add3A_10, %dma_wait3A_57] : memref<10240x64xbf16, #tpu.memory_space<vmem_shared>> -> memref<240x64xbf16, #tpu.memory_space<vmem_shared>>
      %dma_wait3A_59 = arith.constant 0 : i32
      %dma_wait3A_60 = tpu.memref_slice %arg10[%add3A_10, %dma_wait3A_59] : memref<10240x64xbf16, #tpu.memory_space<vmem_shared>> -> memref<240x64xbf16, #tpu.memory_space<vmem_shared>>
      %dma_wait3A_61 = arith.constant 0 : i32
      %dma_wait3A_62 = arith.constant 0 : i32
      %dma_wait3A_63 = tpu.memref_slice %arg8[%dma_wait3A_61, %dma_wait3A_62] : memref<400x64xbf16, #tpu.memory_space<vmem>> -> memref<240x64xbf16, #tpu.memory_space<vmem>>
      tpu.wait_dma2 semaphore(%run_scoped3A : memref<!tpu.dma_semaphore, #tpu.memory_space<semaphore_mem>>) src(%dma_wait3A_63 : memref<240x64xbf16, #tpu.memory_space<vmem>>) dst(%dma_wait3A_60 : memref<240x64xbf16, #tpu.memory_space<vmem_shared>>)
      tpu.yield
    }) : () -> ()
    %mul3A_11 = arith.constant 640 : i32
    %mul3A_12 = arith.muli %arg1, %mul3A_11 : i32
    "tpu.region"() ({
      %run_scoped3A = tpu.sem_alloc : memref<!tpu.dma_semaphore, #tpu.memory_space<semaphore_mem>>
      %dma_start3A_45 = arith.constant 0 : i32
      %dma_start3A_46 = tpu.memref_slice %arg11[%mul3A_12, %dma_start3A_45] : memref<10240x64xbf16, #tpu.memory_space<vmem_shared>> -> memref<640x64xbf16, #tpu.memory_space<vmem_shared>>
      %dma_start3A_47 = arith.constant 0 : i32
      %dma_start3A_48 = tpu.memref_slice %arg2[%arg0, %mul3A_12, %dma_start3A_47] : memref<2x10240x64xbf16, #tpu.memory_space<hbm>> -> memref<1x640x64xbf16, #tpu.memory_space<hbm>>
      %dma_start3A_49 = tpu.memref_squeeze %dma_start3A_48 : memref<1x640x64xbf16, #tpu.memory_space<hbm>> -> memref<640x64xbf16, #tpu.memory_space<hbm>>
      tpu.enqueue_dma source(%dma_start3A_49 : memref<640x64xbf16, #tpu.memory_space<hbm>>) target(%dma_start3A_46 : memref<640x64xbf16, #tpu.memory_space<vmem_shared>>) target_semaphore(%run_scoped3A : memref<!tpu.dma_semaphore, #tpu.memory_space<semaphore_mem>>)
      %dma_wait3A = arith.constant 0 : i32
      %dma_wait3A_50 = tpu.memref_slice %arg11[%mul3A_12, %dma_wait3A] : memref<10240x64xbf16, #tpu.memory_space<vmem_shared>> -> memref<640x64xbf16, #tpu.memory_space<vmem_shared>>
      %dma_wait3A_51 = arith.constant 0 : i32
      %dma_wait3A_52 = tpu.memref_slice %arg2[%arg0, %mul3A_12, %dma_wait3A_51] : memref<2x10240x64xbf16, #tpu.memory_space<hbm>> -> memref<1x640x64xbf16, #tpu.memory_space<hbm>>
      %dma_wait3A_53 = tpu.memref_squeeze %dma_wait3A_52 : memref<1x640x64xbf16, #tpu.memory_space<hbm>> -> memref<640x64xbf16, #tpu.memory_space<hbm>>
      tpu.wait_dma2 semaphore(%run_scoped3A : memref<!tpu.dma_semaphore, #tpu.memory_space<semaphore_mem>>) src(%dma_wait3A_53 : memref<640x64xbf16, #tpu.memory_space<hbm>>) dst(%dma_wait3A_50 : memref<640x64xbf16, #tpu.memory_space<vmem_shared>>)
      tpu.yield
    }) : () -> ()
    %barrier3A = arith.constant 0 : index
    tpu.barrier barrier_id(%barrier3A)
    "tpu.region"() ({
      %run_scoped3A = tpu.sem_alloc : memref<!tpu.dma_semaphore, #tpu.memory_space<semaphore_mem>>
      %dma_start3A_45 = arith.constant 0 : i32
      %dma_start3A_46 = tpu.memref_slice %arg3[%arg1, %dma_start3A_45] : memref<16x20000xi32, #tpu.memory_space<hbm>> -> memref<1x20000xi32, #tpu.memory_space<hbm>>
      %dma_start3A_47 = tpu.memref_squeeze %dma_start3A_46 : memref<1x20000xi32, #tpu.memory_space<hbm>> -> memref<20000xi32, #tpu.memory_space<hbm>>
      %dma_start3A_48 = arith.constant 0 : i32
      %dma_start3A_49 = tpu.memref_slice %arg3[%arg1, %dma_start3A_48] : memref<16x20000xi32, #tpu.memory_space<hbm>> -> memref<1x20000xi32, #tpu.memory_space<hbm>>
      %dma_start3A_50 = tpu.memref_squeeze %dma_start3A_49 : memref<1x20000xi32, #tpu.memory_space<hbm>> -> memref<20000xi32, #tpu.memory_space<hbm>>
      tpu.enqueue_dma source(%dma_start3A_50 : memref<20000xi32, #tpu.memory_space<hbm>>) target(%arg6 : memref<20000xi32, #tpu.memory_space<vmem>>) target_semaphore(%run_scoped3A : memref<!tpu.dma_semaphore, #tpu.memory_space<semaphore_mem>>)
      %dma_wait3A = arith.constant 0 : i32
      %dma_wait3A_51 = tpu.memref_slice %arg3[%arg1, %dma_wait3A] : memref<16x20000xi32, #tpu.memory_space<hbm>> -> memref<1x20000xi32, #tpu.memory_space<hbm>>
      %dma_wait3A_52 = tpu.memref_squeeze %dma_wait3A_51 : memref<1x20000xi32, #tpu.memory_space<hbm>> -> memref<20000xi32, #tpu.memory_space<hbm>>
      %dma_wait3A_53 = arith.constant 0 : i32
      %dma_wait3A_54 = tpu.memref_slice %arg3[%arg1, %dma_wait3A_53] : memref<16x20000xi32, #tpu.memory_space<hbm>> -> memref<1x20000xi32, #tpu.memory_space<hbm>>
      %dma_wait3A_55 = tpu.memref_squeeze %dma_wait3A_54 : memref<1x20000xi32, #tpu.memory_space<hbm>> -> memref<20000xi32, #tpu.memory_space<hbm>>
      tpu.wait_dma2 semaphore(%run_scoped3A : memref<!tpu.dma_semaphore, #tpu.memory_space<semaphore_mem>>) src(%dma_wait3A_55 : memref<20000xi32, #tpu.memory_space<hbm>>) dst(%arg6 : memref<20000xi32, #tpu.memory_space<vmem>>)
      tpu.yield
    }) : () -> ()
    "tpu.region"() ({
      %run_scoped3A = tpu.sem_alloc : memref<!tpu.dma_semaphore, #tpu.memory_space<semaphore_mem>>
      %dma_start3A_45 = arith.constant 0 : i32
      %dma_start3A_46 = tpu.memref_slice %arg4[%arg1, %dma_start3A_45] : memref<16x20000xi32, #tpu.memory_space<hbm>> -> memref<1x20000xi32, #tpu.memory_space<hbm>>
      %dma_start3A_47 = tpu.memref_squeeze %dma_start3A_46 : memref<1x20000xi32, #tpu.memory_space<hbm>> -> memref<20000xi32, #tpu.memory_space<hbm>>
      %dma_start3A_48 = arith.constant 0 : i32
      %dma_start3A_49 = tpu.memref_slice %arg4[%arg1, %dma_start3A_48] : memref<16x20000xi32, #tpu.memory_space<hbm>> -> memref<1x20000xi32, #tpu.memory_space<hbm>>
      %dma_start3A_50 = tpu.memref_squeeze %dma_start3A_49 : memref<1x20000xi32, #tpu.memory_space<hbm>> -> memref<20000xi32, #tpu.memory_space<hbm>>
      tpu.enqueue_dma source(%dma_start3A_50 : memref<20000xi32, #tpu.memory_space<hbm>>) target(%arg7 : memref<20000xi32, #tpu.memory_space<vmem>>) target_semaphore(%run_scoped3A : memref<!tpu.dma_semaphore, #tpu.memory_space<semaphore_mem>>)
      %dma_wait3A = arith.constant 0 : i32
      %dma_wait3A_51 = tpu.memref_slice %arg4[%arg1, %dma_wait3A] : memref<16x20000xi32, #tpu.memory_space<hbm>> -> memref<1x20000xi32, #tpu.memory_space<hbm>>
      %dma_wait3A_52 = tpu.memref_squeeze %dma_wait3A_51 : memref<1x20000xi32, #tpu.memory_space<hbm>> -> memref<20000xi32, #tpu.memory_space<hbm>>
      %dma_wait3A_53 = arith.constant 0 : i32
      %dma_wait3A_54 = tpu.memref_slice %arg4[%arg1, %dma_wait3A_53] : memref<16x20000xi32, #tpu.memory_space<hbm>> -> memref<1x20000xi32, #tpu.memory_space<hbm>>
      %dma_wait3A_55 = tpu.memref_squeeze %dma_wait3A_54 : memref<1x20000xi32, #tpu.memory_space<hbm>> -> memref<20000xi32, #tpu.memory_space<hbm>>
      tpu.wait_dma2 semaphore(%run_scoped3A : memref<!tpu.dma_semaphore, #tpu.memory_space<semaphore_mem>>) src(%dma_wait3A_55 : memref<20000xi32, #tpu.memory_space<hbm>>) dst(%arg7 : memref<20000xi32, #tpu.memory_space<vmem>>)
      tpu.yield
    }) : () -> ()
    %dma_start3A = arith.constant 0 : i32
    %dma_start3A_13 = tpu.memref_slice %arg6[%dma_start3A] : memref<20000xi32, #tpu.memory_space<vmem>> -> memref<400xi32, #tpu.memory_space<vmem>>
    %dma_start3A_14 = arith.constant 0 : i32
    %dma_start3A_15 = arith.constant 0 : i32
    %dma_start3A_16 = tpu.memref_slice %arg11[%dma_start3A_14, %dma_start3A_15] : memref<10240x64xbf16, #tpu.memory_space<vmem_shared>> -> memref<10240x64xbf16, #tpu.memory_space<vmem_shared>>
    tpu.enqueue_indirect_dma source(%dma_start3A_16 : memref<10240x64xbf16, #tpu.memory_space<vmem_shared>>) target(%arg8 : memref<400x64xbf16, #tpu.memory_space<vmem>>) offsets(%dma_start3A_13 : memref<400xi32, #tpu.memory_space<vmem>>) semaphore(%arg12 : memref<!tpu.dma_semaphore, #tpu.memory_space<semaphore_mem>>)
    %dma_start3A_17 = arith.constant 400 : i32
    %dma_start3A_18 = tpu.memref_slice %arg6[%dma_start3A_17] : memref<20000xi32, #tpu.memory_space<vmem>> -> memref<400xi32, #tpu.memory_space<vmem>>
    %dma_start3A_19 = arith.constant 0 : i32
    %dma_start3A_20 = arith.constant 0 : i32
    %dma_start3A_21 = tpu.memref_slice %arg11[%dma_start3A_19, %dma_start3A_20] : memref<10240x64xbf16, #tpu.memory_space<vmem_shared>> -> memref<10240x64xbf16, #tpu.memory_space<vmem_shared>>
    tpu.enqueue_indirect_dma source(%dma_start3A_21 : memref<10240x64xbf16, #tpu.memory_space<vmem_shared>>) target(%arg9 : memref<400x64xbf16, #tpu.memory_space<vmem>>) offsets(%dma_start3A_18 : memref<400xi32, #tpu.memory_space<vmem>>) semaphore(%arg13 : memref<!tpu.dma_semaphore, #tpu.memory_space<semaphore_mem>>)
    %scan3A_22 = arith.constant 0 : i32
    %scan3A_23 = arith.constant 0 : i32
    %scan3A_24 = arith.constant 25 : i32
    %scan3A_25 = arith.addi %scan3A_23, %scan3A_24 : i32
    %scan3A_26 = arith.constant 1 : i32
    scf.for %scan3A_45 = %scan3A_23 to %scan3A_25 step %scan3A_26  : i32 {
      %mul3A_46 = arith.constant 2 : i32
      %mul3A_47 = arith.muli %scan3A_45, %mul3A_46 : i32
      %add3A_48 = arith.constant 0 : i32
      %add3A_49 = arith.addi %mul3A_47, %add3A_48 : i32
      %mul3A_50 = arith.constant 400 : i32
      %mul3A_51 = arith.muli %add3A_49, %mul3A_50 : i32
      %dma_wait3A = tpu.memref_slice %arg6[%mul3A_51] : memref<20000xi32, #tpu.memory_space<vmem>> -> memref<400xi32, #tpu.memory_space<vmem>>
      %dma_wait3A_52 = arith.constant 0 : i32
      %dma_wait3A_53 = arith.constant 0 : i32
      %dma_wait3A_54 = tpu.memref_slice %arg11[%dma_wait3A_52, %dma_wait3A_53] : memref<10240x64xbf16, #tpu.memory_space<vmem_shared>> -> memref<10240x64xbf16, #tpu.memory_space<vmem_shared>>
      tpu.wait_indirect_dma semaphore(%arg12 : memref<!tpu.dma_semaphore, #tpu.memory_space<semaphore_mem>>) src(%dma_wait3A_54 : memref<10240x64xbf16, #tpu.memory_space<vmem_shared>>) dst(%arg8 : memref<400x64xbf16, #tpu.memory_space<vmem>>)
      %mul3A_55 = arith.constant 400 : i32
      %mul3A_56 = arith.muli %add3A_49, %mul3A_55 : i32
      "tpu.region"() ({
        %run_scoped3A = tpu.sem_alloc : memref<!tpu.dma_semaphore, #tpu.memory_space<semaphore_mem>>
        %dma_start3A_80 = tpu.memref_slice %arg7[%mul3A_56] : memref<20000xi32, #tpu.memory_space<vmem>> -> memref<400xi32, #tpu.memory_space<vmem>>
        %dma_start3A_81 = arith.constant 0 : i32
        %dma_start3A_82 = arith.constant 0 : i32
        %dma_start3A_83 = tpu.memref_slice %arg10[%dma_start3A_81, %dma_start3A_82] : memref<10240x64xbf16, #tpu.memory_space<vmem_shared>> -> memref<10240x64xbf16, #tpu.memory_space<vmem_shared>>
        tpu.enqueue_indirect_dma source(%arg8 : memref<400x64xbf16, #tpu.memory_space<vmem>>) target(%dma_start3A_83 : memref<10240x64xbf16, #tpu.memory_space<vmem_shared>>) offsets(%dma_start3A_80 : memref<400xi32, #tpu.memory_space<vmem>>) semaphore(%run_scoped3A : memref<!tpu.dma_semaphore, #tpu.memory_space<semaphore_mem>>) {add = true}
        %dma_wait3A_84 = tpu.memref_slice %arg7[%mul3A_56] : memref<20000xi32, #tpu.memory_space<vmem>> -> memref<400xi32, #tpu.memory_space<vmem>>
        %dma_wait3A_85 = arith.constant 0 : i32
        %dma_wait3A_86 = arith.constant 0 : i32
        %dma_wait3A_87 = tpu.memref_slice %arg10[%dma_wait3A_85, %dma_wait3A_86] : memref<10240x64xbf16, #tpu.memory_space<vmem_shared>> -> memref<10240x64xbf16, #tpu.memory_space<vmem_shared>>
        tpu.wait_indirect_dma semaphore(%run_scoped3A : memref<!tpu.dma_semaphore, #tpu.memory_space<semaphore_mem>>) src(%arg8 : memref<400x64xbf16, #tpu.memory_space<vmem>>) dst(%dma_wait3A_87 : memref<10240x64xbf16, #tpu.memory_space<vmem_shared>>)
        tpu.yield
      }) : () -> ()
      %add3A_57 = arith.constant 2 : i32
      %add3A_58 = arith.addi %add3A_49, %add3A_57 : i32
      %lt3A = arith.constant 50 : i32
      %lt3A_59 = arith.cmpi slt, %add3A_58, %lt3A : i32
      %convert_element_type3A = arith.extui %lt3A_59 : i1 to i32
      %cond3A = arith.constant 0 : i32
      %cond3A_60 = arith.cmpi ne, %convert_element_type3A, %cond3A : i32
      scf.if %cond3A_60 {
        %add3A_80 = arith.constant 2 : i32
        %add3A_81 = arith.addi %add3A_49, %add3A_80 : i32
        %mul3A_82 = arith.constant 400 : i32
        %mul3A_83 = arith.muli %add3A_81, %mul3A_82 : i32
        %dma_start3A_84 = tpu.memref_slice %arg6[%mul3A_83] : memref<20000xi32, #tpu.memory_space<vmem>> -> memref<400xi32, #tpu.memory_space<vmem>>
        %dma_start3A_85 = arith.constant 0 : i32
        %dma_start3A_86 = arith.constant 0 : i32
        %dma_start3A_87 = tpu.memref_slice %arg11[%dma_start3A_85, %dma_start3A_86] : memref<10240x64xbf16, #tpu.memory_space<vmem_shared>> -> memref<10240x64xbf16, #tpu.memory_space<vmem_shared>>
        tpu.enqueue_indirect_dma source(%dma_start3A_87 : memref<10240x64xbf16, #tpu.memory_space<vmem_shared>>) target(%arg8 : memref<400x64xbf16, #tpu.memory_space<vmem>>) offsets(%dma_start3A_84 : memref<400xi32, #tpu.memory_space<vmem>>) semaphore(%arg12 : memref<!tpu.dma_semaphore, #tpu.memory_space<semaphore_mem>>)
      } else {
      }
      %mul3A_61 = arith.constant 2 : i32
      %mul3A_62 = arith.muli %scan3A_45, %mul3A_61 : i32
      %add3A_63 = arith.constant 1 : i32
      %add3A_64 = arith.addi %mul3A_62, %add3A_63 : i32
      %mul3A_65 = arith.constant 400 : i32
      %mul3A_66 = arith.muli %add3A_64, %mul3A_65 : i32
      %dma_wait3A_67 = tpu.memref_slice %arg6[%mul3A_66] : memref<20000xi32, #tpu.memory_space<vmem>> -> memref<400xi32, #tpu.memory_space<vmem>>
      %dma_wait3A_68 = arith.constant 0 : i32
      %dma_wait3A_69 = arith.constant 0 : i32
      %dma_wait3A_70 = tpu.memref_slice %arg11[%dma_wait3A_68, %dma_wait3A_69] : memref<10240x64xbf16, #tpu.memory_space<vmem_shared>> -> memref<10240x64xbf16, #tpu.memory_space<vmem_shared>>
      tpu.wait_indirect_dma semaphore(%arg13 : memref<!tpu.dma_semaphore, #tpu.memory_space<semaphore_mem>>) src(%dma_wait3A_70 : memref<10240x64xbf16, #tpu.memory_space<vmem_shared>>) dst(%arg9 : memref<400x64xbf16, #tpu.memory_space<vmem>>)
      %mul3A_71 = arith.constant 400 : i32
      %mul3A_72 = arith.muli %add3A_64, %mul3A_71 : i32
      "tpu.region"() ({
        %run_scoped3A = tpu.sem_alloc : memref<!tpu.dma_semaphore, #tpu.memory_space<semaphore_mem>>
        %dma_start3A_80 = tpu.memref_slice %arg7[%mul3A_72] : memref<20000xi32, #tpu.memory_space<vmem>> -> memref<400xi32, #tpu.memory_space<vmem>>
        %dma_start3A_81 = arith.constant 0 : i32
        %dma_start3A_82 = arith.constant 0 : i32
        %dma_start3A_83 = tpu.memref_slice %arg10[%dma_start3A_81, %dma_start3A_82] : memref<10240x64xbf16, #tpu.memory_space<vmem_shared>> -> memref<10240x64xbf16, #tpu.memory_space<vmem_shared>>
        tpu.enqueue_indirect_dma source(%arg9 : memref<400x64xbf16, #tpu.memory_space<vmem>>) target(%dma_start3A_83 : memref<10240x64xbf16, #tpu.memory_space<vmem_shared>>) offsets(%dma_start3A_80 : memref<400xi32, #tpu.memory_space<vmem>>) semaphore(%run_scoped3A : memref<!tpu.dma_semaphore, #tpu.memory_space<semaphore_mem>>) {add = true}
        %dma_wait3A_84 = tpu.memref_slice %arg7[%mul3A_72] : memref<20000xi32, #tpu.memory_space<vmem>> -> memref<400xi32, #tpu.memory_space<vmem>>
        %dma_wait3A_85 = arith.constant 0 : i32
        %dma_wait3A_86 = arith.constant 0 : i32
        %dma_wait3A_87 = tpu.memref_slice %arg10[%dma_wait3A_85, %dma_wait3A_86] : memref<10240x64xbf16, #tpu.memory_space<vmem_shared>> -> memref<10240x64xbf16, #tpu.memory_space<vmem_shared>>
        tpu.wait_indirect_dma semaphore(%run_scoped3A : memref<!tpu.dma_semaphore, #tpu.memory_space<semaphore_mem>>) src(%arg9 : memref<400x64xbf16, #tpu.memory_space<vmem>>) dst(%dma_wait3A_87 : memref<10240x64xbf16, #tpu.memory_space<vmem_shared>>)
        tpu.yield
      }) : () -> ()
      %add3A_73 = arith.constant 2 : i32
      %add3A_74 = arith.addi %add3A_64, %add3A_73 : i32
      %lt3A_75 = arith.constant 50 : i32
      %lt3A_76 = arith.cmpi slt, %add3A_74, %lt3A_75 : i32
      %convert_element_type3A_77 = arith.extui %lt3A_76 : i1 to i32
      %cond3A_78 = arith.constant 0 : i32
      %cond3A_79 = arith.cmpi ne, %convert_element_type3A_77, %cond3A_78 : i32
      scf.if %cond3A_79 {
        %add3A_80 = arith.constant 2 : i32
        %add3A_81 = arith.addi %add3A_64, %add3A_80 : i32
        %mul3A_82 = arith.constant 400 : i32
        %mul3A_83 = arith.muli %add3A_81, %mul3A_82 : i32
        %dma_start3A_84 = tpu.memref_slice %arg6[%mul3A_83] : memref<20000xi32, #tpu.memory_space<vmem>> -> memref<400xi32, #tpu.memory_space<vmem>>
        %dma_start3A_85 = arith.constant 0 : i32
        %dma_start3A_86 = arith.constant 0 : i32
        %dma_start3A_87 = tpu.memref_slice %arg11[%dma_start3A_85, %dma_start3A_86] : memref<10240x64xbf16, #tpu.memory_space<vmem_shared>> -> memref<10240x64xbf16, #tpu.memory_space<vmem_shared>>
        tpu.enqueue_indirect_dma source(%dma_start3A_87 : memref<10240x64xbf16, #tpu.memory_space<vmem_shared>>) target(%arg9 : memref<400x64xbf16, #tpu.memory_space<vmem>>) offsets(%dma_start3A_84 : memref<400xi32, #tpu.memory_space<vmem>>) semaphore(%arg13 : memref<!tpu.dma_semaphore, #tpu.memory_space<semaphore_mem>>)
      } else {
      }
    }
    %scan3A_27 = arith.constant 25 : i32
    %barrier3A_28 = arith.constant 0 : index
    tpu.barrier barrier_id(%barrier3A_28)
    %mul3A_29 = arith.constant 640 : i32
    %mul3A_30 = arith.muli %arg1, %mul3A_29 : i32
    %add3A_31 = arith.constant 0 : i32
    %add3A_32 = arith.addi %mul3A_30, %add3A_31 : i32
    "tpu.region"() ({
      %run_scoped3A = tpu.sem_alloc : memref<!tpu.dma_semaphore, #tpu.memory_space<semaphore_mem>>
      %dma_start3A_45 = arith.constant 0 : i32
      %dma_start3A_46 = arith.constant 0 : i32
      %dma_start3A_47 = tpu.memref_slice %arg8[%dma_start3A_45, %dma_start3A_46] : memref<400x64xbf16, #tpu.memory_space<vmem>> -> memref<400x64xbf16, #tpu.memory_space<vmem>>
      %dma_start3A_48 = arith.constant 0 : i32
      %dma_start3A_49 = tpu.memref_slice %arg10[%add3A_32, %dma_start3A_48] : memref<10240x64xbf16, #tpu.memory_space<vmem_shared>> -> memref<400x64xbf16, #tpu.memory_space<vmem_shared>>
      %dma_start3A_50 = arith.constant 0 : i32
      %dma_start3A_51 = arith.constant 0 : i32
      %dma_start3A_52 = tpu.memref_slice %arg8[%dma_start3A_50, %dma_start3A_51] : memref<400x64xbf16, #tpu.memory_space<vmem>> -> memref<400x64xbf16, #tpu.memory_space<vmem>>
      %dma_start3A_53 = arith.constant 0 : i32
      %dma_start3A_54 = tpu.memref_slice %arg10[%add3A_32, %dma_start3A_53] : memref<10240x64xbf16, #tpu.memory_space<vmem_shared>> -> memref<400x64xbf16, #tpu.memory_space<vmem_shared>>
      tpu.enqueue_dma source(%dma_start3A_54 : memref<400x64xbf16, #tpu.memory_space<vmem_shared>>) target(%dma_start3A_52 : memref<400x64xbf16, #tpu.memory_space<vmem>>) target_semaphore(%run_scoped3A : memref<!tpu.dma_semaphore, #tpu.memory_space<semaphore_mem>>)
      %dma_wait3A = arith.constant 0 : i32
      %dma_wait3A_55 = arith.constant 0 : i32
      %dma_wait3A_56 = tpu.memref_slice %arg8[%dma_wait3A, %dma_wait3A_55] : memref<400x64xbf16, #tpu.memory_space<vmem>> -> memref<400x64xbf16, #tpu.memory_space<vmem>>
      %dma_wait3A_57 = arith.constant 0 : i32
      %dma_wait3A_58 = tpu.memref_slice %arg10[%add3A_32, %dma_wait3A_57] : memref<10240x64xbf16, #tpu.memory_space<vmem_shared>> -> memref<400x64xbf16, #tpu.memory_space<vmem_shared>>
      %dma_wait3A_59 = arith.constant 0 : i32
      %dma_wait3A_60 = arith.constant 0 : i32
      %dma_wait3A_61 = tpu.memref_slice %arg8[%dma_wait3A_59, %dma_wait3A_60] : memref<400x64xbf16, #tpu.memory_space<vmem>> -> memref<400x64xbf16, #tpu.memory_space<vmem>>
      %dma_wait3A_62 = arith.constant 0 : i32
      %dma_wait3A_63 = tpu.memref_slice %arg10[%add3A_32, %dma_wait3A_62] : memref<10240x64xbf16, #tpu.memory_space<vmem_shared>> -> memref<400x64xbf16, #tpu.memory_space<vmem_shared>>
      tpu.wait_dma2 semaphore(%run_scoped3A : memref<!tpu.dma_semaphore, #tpu.memory_space<semaphore_mem>>) src(%dma_wait3A_63 : memref<400x64xbf16, #tpu.memory_space<vmem_shared>>) dst(%dma_wait3A_61 : memref<400x64xbf16, #tpu.memory_space<vmem>>)
      tpu.yield
    }) : () -> ()
    %mul3A_33 = arith.constant 640 : i32
    %mul3A_34 = arith.muli %arg1, %mul3A_33 : i32
    %add3A_35 = arith.constant 0 : i32
    %add3A_36 = arith.addi %mul3A_34, %add3A_35 : i32
    "tpu.region"() ({
      %run_scoped3A = tpu.sem_alloc : memref<!tpu.dma_semaphore, #tpu.memory_space<semaphore_mem>>
      %dma_start3A_45 = arith.constant 0 : i32
      %dma_start3A_46 = arith.constant 0 : i32
      %dma_start3A_47 = tpu.memref_slice %arg8[%dma_start3A_45, %dma_start3A_46] : memref<400x64xbf16, #tpu.memory_space<vmem>> -> memref<400x64xbf16, #tpu.memory_space<vmem>>
      %dma_start3A_48 = arith.constant 0 : i32
      %dma_start3A_49 = tpu.memref_slice %arg5[%arg0, %add3A_36, %dma_start3A_48] : memref<2x10240x64xbf16, #tpu.memory_space<hbm>> -> memref<1x400x64xbf16, #tpu.memory_space<hbm>>
      %dma_start3A_50 = tpu.memref_squeeze %dma_start3A_49 : memref<1x400x64xbf16, #tpu.memory_space<hbm>> -> memref<400x64xbf16, #tpu.memory_space<hbm>>
      %dma_start3A_51 = arith.constant 0 : i32
      %dma_start3A_52 = tpu.memref_slice %arg5[%arg0, %add3A_36, %dma_start3A_51] : memref<2x10240x64xbf16, #tpu.memory_space<hbm>> -> memref<1x400x64xbf16, #tpu.memory_space<hbm>>
      %dma_start3A_53 = tpu.memref_squeeze %dma_start3A_52 : memref<1x400x64xbf16, #tpu.memory_space<hbm>> -> memref<400x64xbf16, #tpu.memory_space<hbm>>
      %dma_start3A_54 = arith.constant 0 : i32
      %dma_start3A_55 = arith.constant 0 : i32
      %dma_start3A_56 = tpu.memref_slice %arg8[%dma_start3A_54, %dma_start3A_55] : memref<400x64xbf16, #tpu.memory_space<vmem>> -> memref<400x64xbf16, #tpu.memory_space<vmem>>
      tpu.enqueue_dma source(%dma_start3A_56 : memref<400x64xbf16, #tpu.memory_space<vmem>>) target(%dma_start3A_53 : memref<400x64xbf16, #tpu.memory_space<hbm>>) target_semaphore(%run_scoped3A : memref<!tpu.dma_semaphore, #tpu.memory_space<semaphore_mem>>)
      %dma_wait3A = arith.constant 0 : i32
      %dma_wait3A_57 = arith.constant 0 : i32
      %dma_wait3A_58 = tpu.memref_slice %arg8[%dma_wait3A, %dma_wait3A_57] : memref<400x64xbf16, #tpu.memory_space<vmem>> -> memref<400x64xbf16, #tpu.memory_space<vmem>>
      %dma_wait3A_59 = arith.constant 0 : i32
      %dma_wait3A_60 = tpu.memref_slice %arg5[%arg0, %add3A_36, %dma_wait3A_59] : memref<2x10240x64xbf16, #tpu.memory_space<hbm>> -> memref<1x400x64xbf16, #tpu.memory_space<hbm>>
      %dma_wait3A_61 = tpu.memref_squeeze %dma_wait3A_60 : memref<1x400x64xbf16, #tpu.memory_space<hbm>> -> memref<400x64xbf16, #tpu.memory_space<hbm>>
      %dma_wait3A_62 = arith.constant 0 : i32
      %dma_wait3A_63 = tpu.memref_slice %arg5[%arg0, %add3A_36, %dma_wait3A_62] : memref<2x10240x64xbf16, #tpu.memory_space<hbm>> -> memref<1x400x64xbf16, #tpu.memory_space<hbm>>
      %dma_wait3A_64 = tpu.memref_squeeze %dma_wait3A_63 : memref<1x400x64xbf16, #tpu.memory_space<hbm>> -> memref<400x64xbf16, #tpu.memory_space<hbm>>
      %dma_wait3A_65 = arith.constant 0 : i32
      %dma_wait3A_66 = arith.constant 0 : i32
      %dma_wait3A_67 = tpu.memref_slice %arg8[%dma_wait3A_65, %dma_wait3A_66] : memref<400x64xbf16, #tpu.memory_space<vmem>> -> memref<400x64xbf16, #tpu.memory_space<vmem>>
      tpu.wait_dma2 semaphore(%run_scoped3A : memref<!tpu.dma_semaphore, #tpu.memory_space<semaphore_mem>>) src(%dma_wait3A_67 : memref<400x64xbf16, #tpu.memory_space<vmem>>) dst(%dma_wait3A_64 : memref<400x64xbf16, #tpu.memory_space<hbm>>)
      tpu.yield
    }) : () -> ()
    %mul3A_37 = arith.constant 640 : i32
    %mul3A_38 = arith.muli %arg1, %mul3A_37 : i32
    %add3A_39 = arith.constant 400 : i32
    %add3A_40 = arith.addi %mul3A_38, %add3A_39 : i32
    "tpu.region"() ({
      %run_scoped3A = tpu.sem_alloc : memref<!tpu.dma_semaphore, #tpu.memory_space<semaphore_mem>>
      %dma_start3A_45 = arith.constant 0 : i32
      %dma_start3A_46 = arith.constant 0 : i32
      %dma_start3A_47 = tpu.memref_slice %arg8[%dma_start3A_45, %dma_start3A_46] : memref<400x64xbf16, #tpu.memory_space<vmem>> -> memref<240x64xbf16, #tpu.memory_space<vmem>>
      %dma_start3A_48 = arith.constant 0 : i32
      %dma_start3A_49 = tpu.memref_slice %arg10[%add3A_40, %dma_start3A_48] : memref<10240x64xbf16, #tpu.memory_space<vmem_shared>> -> memref<240x64xbf16, #tpu.memory_space<vmem_shared>>
      %dma_start3A_50 = arith.constant 0 : i32
      %dma_start3A_51 = arith.constant 0 : i32
      %dma_start3A_52 = tpu.memref_slice %arg8[%dma_start3A_50, %dma_start3A_51] : memref<400x64xbf16, #tpu.memory_space<vmem>> -> memref<240x64xbf16, #tpu.memory_space<vmem>>
      %dma_start3A_53 = arith.constant 0 : i32
      %dma_start3A_54 = tpu.memref_slice %arg10[%add3A_40, %dma_start3A_53] : memref<10240x64xbf16, #tpu.memory_space<vmem_shared>> -> memref<240x64xbf16, #tpu.memory_space<vmem_shared>>
      tpu.enqueue_dma source(%dma_start3A_54 : memref<240x64xbf16, #tpu.memory_space<vmem_shared>>) target(%dma_start3A_52 : memref<240x64xbf16, #tpu.memory_space<vmem>>) target_semaphore(%run_scoped3A : memref<!tpu.dma_semaphore, #tpu.memory_space<semaphore_mem>>)
      %dma_wait3A = arith.constant 0 : i32
      %dma_wait3A_55 = arith.constant 0 : i32
      %dma_wait3A_56 = tpu.memref_slice %arg8[%dma_wait3A, %dma_wait3A_55] : memref<400x64xbf16, #tpu.memory_space<vmem>> -> memref<240x64xbf16, #tpu.memory_space<vmem>>
      %dma_wait3A_57 = arith.constant 0 : i32
      %dma_wait3A_58 = tpu.memref_slice %arg10[%add3A_40, %dma_wait3A_57] : memref<10240x64xbf16, #tpu.memory_space<vmem_shared>> -> memref<240x64xbf16, #tpu.memory_space<vmem_shared>>
      %dma_wait3A_59 = arith.constant 0 : i32
      %dma_wait3A_60 = arith.constant 0 : i32
      %dma_wait3A_61 = tpu.memref_slice %arg8[%dma_wait3A_59, %dma_wait3A_60] : memref<400x64xbf16, #tpu.memory_space<vmem>> -> memref<240x64xbf16, #tpu.memory_space<vmem>>
      %dma_wait3A_62 = arith.constant 0 : i32
      %dma_wait3A_63 = tpu.memref_slice %arg10[%add3A_40, %dma_wait3A_62] : memref<10240x64xbf16, #tpu.memory_space<vmem_shared>> -> memref<240x64xbf16, #tpu.memory_space<vmem_shared>>
      tpu.wait_dma2 semaphore(%run_scoped3A : memref<!tpu.dma_semaphore, #tpu.memory_space<semaphore_mem>>) src(%dma_wait3A_63 : memref<240x64xbf16, #tpu.memory_space<vmem_shared>>) dst(%dma_wait3A_61 : memref<240x64xbf16, #tpu.memory_space<vmem>>)
      tpu.yield
    }) : () -> ()
    %mul3A_41 = arith.constant 640 : i32
    %mul3A_42 = arith.muli %arg1, %mul3A_41 : i32
    %add3A_43 = arith.constant 400 : i32
    %add3A_44 = arith.addi %mul3A_42, %add3A_43 : i32
    "tpu.region"() ({
      %run_scoped3A = tpu.sem_alloc : memref<!tpu.dma_semaphore, #tpu.memory_space<semaphore_mem>>
      %dma_start3A_45 = arith.constant 0 : i32
      %dma_start3A_46 = arith.constant 0 : i32
      %dma_start3A_47 = tpu.memref_slice %arg8[%dma_start3A_45, %dma_start3A_46] : memref<400x64xbf16, #tpu.memory_space<vmem>> -> memref<240x64xbf16, #tpu.memory_space<vmem>>
      %dma_start3A_48 = arith.constant 0 : i32
      %dma_start3A_49 = tpu.memref_slice %arg5[%arg0, %add3A_44, %dma_start3A_48] : memref<2x10240x64xbf16, #tpu.memory_space<hbm>> -> memref<1x240x64xbf16, #tpu.memory_space<hbm>>
      %dma_start3A_50 = tpu.memref_squeeze %dma_start3A_49 : memref<1x240x64xbf16, #tpu.memory_space<hbm>> -> memref<240x64xbf16, #tpu.memory_space<hbm>>
      %dma_start3A_51 = arith.constant 0 : i32
      %dma_start3A_52 = tpu.memref_slice %arg5[%arg0, %add3A_44, %dma_start3A_51] : memref<2x10240x64xbf16, #tpu.memory_space<hbm>> -> memref<1x240x64xbf16, #tpu.memory_space<hbm>>
      %dma_start3A_53 = tpu.memref_squeeze %dma_start3A_52 : memref<1x240x64xbf16, #tpu.memory_space<hbm>> -> memref<240x64xbf16, #tpu.memory_space<hbm>>
      %dma_start3A_54 = arith.constant 0 : i32
      %dma_start3A_55 = arith.constant 0 : i32
      %dma_start3A_56 = tpu.memref_slice %arg8[%dma_start3A_54, %dma_start3A_55] : memref<400x64xbf16, #tpu.memory_space<vmem>> -> memref<240x64xbf16, #tpu.memory_space<vmem>>
      tpu.enqueue_dma source(%dma_start3A_56 : memref<240x64xbf16, #tpu.memory_space<vmem>>) target(%dma_start3A_53 : memref<240x64xbf16, #tpu.memory_space<hbm>>) target_semaphore(%run_scoped3A : memref<!tpu.dma_semaphore, #tpu.memory_space<semaphore_mem>>)
      %dma_wait3A = arith.constant 0 : i32
      %dma_wait3A_57 = arith.constant 0 : i32
      %dma_wait3A_58 = tpu.memref_slice %arg8[%dma_wait3A, %dma_wait3A_57] : memref<400x64xbf16, #tpu.memory_space<vmem>> -> memref<240x64xbf16, #tpu.memory_space<vmem>>
      %dma_wait3A_59 = arith.constant 0 : i32
      %dma_wait3A_60 = tpu.memref_slice %arg5[%arg0, %add3A_44, %dma_wait3A_59] : memref<2x10240x64xbf16, #tpu.memory_space<hbm>> -> memref<1x240x64xbf16, #tpu.memory_space<hbm>>
      %dma_wait3A_61 = tpu.memref_squeeze %dma_wait3A_60 : memref<1x240x64xbf16, #tpu.memory_space<hbm>> -> memref<240x64xbf16, #tpu.memory_space<hbm>>
      %dma_wait3A_62 = arith.constant 0 : i32
      %dma_wait3A_63 = tpu.memref_slice %arg5[%arg0, %add3A_44, %dma_wait3A_62] : memref<2x10240x64xbf16, #tpu.memory_space<hbm>> -> memref<1x240x64xbf16, #tpu.memory_space<hbm>>
      %dma_wait3A_64 = tpu.memref_squeeze %dma_wait3A_63 : memref<1x240x64xbf16, #tpu.memory_space<hbm>> -> memref<240x64xbf16, #tpu.memory_space<hbm>>
      %dma_wait3A_65 = arith.constant 0 : i32
      %dma_wait3A_66 = arith.constant 0 : i32
      %dma_wait3A_67 = tpu.memref_slice %arg8[%dma_wait3A_65, %dma_wait3A_66] : memref<400x64xbf16, #tpu.memory_space<vmem>> -> memref<240x64xbf16, #tpu.memory_space<vmem>>
      tpu.wait_dma2 semaphore(%run_scoped3A : memref<!tpu.dma_semaphore, #tpu.memory_space<semaphore_mem>>) src(%dma_wait3A_67 : memref<240x64xbf16, #tpu.memory_space<vmem>>) dst(%dma_wait3A_64 : memref<240x64xbf16, #tpu.memory_space<hbm>>)
      tpu.yield
    }) : () -> ()
    return
  }
}

#map = affine_map<(d0, d1) -> (0, 0, 0)>
module attributes {stable_mosaic.version = 14 : i64} {
  func.func @_degree_kernel(%arg0: i32, %arg1: i32, %arg2: memref<2x16x20000xi32, #tpu.memory_space<hbm>>, %arg3: memref<2x10240x16xf32, #tpu.memory_space<hbm>>, %arg4: memref<20000xi32, #tpu.memory_space<vmem>>, %arg5: memref<400x16xf32, #tpu.memory_space<vmem>>, %arg6: memref<640x16xf32, #tpu.memory_space<vmem>>, %arg7: memref<10240x16xf32, #tpu.memory_space<vmem_shared>>) attributes {dimension_semantics = [#tpu.dimension_semantics<core_parallel>, #tpu.dimension_semantics<subcore_parallel>], iteration_bounds = array<i64: 2, 16>, scalar_prefetch = 0 : i64, scratch_operands = 4 : i64, tpu.core_type = #tpu.core_type<sc_vector_subcore>, window_params = [{transform_indices = #map}, {transform_indices = #map}]} {
    %scan3A = arith.constant 0 : i32
    %scan3A_0 = arith.constant 0 : i32
    %scan3A_1 = arith.constant 400 : i32
    %scan3A_2 = arith.addi %scan3A_0, %scan3A_1 : i32
    %scan3A_3 = arith.constant 1 : i32
    scf.for %scan3A_23 = %scan3A_0 to %scan3A_2 step %scan3A_3  : i32 {
      %broadcast_in_dim3A = arith.constant 1.000000e+00 : f32
      %broadcast_in_dim3A_24 = vector.broadcast %broadcast_in_dim3A : f32 to vector<16xf32>
      %swap3A = arith.index_cast %scan3A_23 : i32 to index
      %swap3A_25 = arith.constant 0 : index
      %swap3A_26 = tpu.vector_load %arg5[%swap3A, %swap3A_25] {strides = array<i32>} : memref<400x16xf32, #tpu.memory_space<vmem>>, vector<1x16xf32>,
      %swap3A_27 = vector.shape_cast %swap3A_26 : vector<1x16xf32> to vector<16xf32>
      %swap3A_28 = vector.shape_cast %broadcast_in_dim3A_24 : vector<16xf32> to vector<1x16xf32>
      tpu.vector_store %arg5[%swap3A, %swap3A_25], %swap3A_28 {strides = array<i32>} : memref<400x16xf32, #tpu.memory_space<vmem>>, vector<1x16xf32>,
    }
    %scan3A_4 = arith.constant 400 : i32
    %scan3A_5 = arith.constant 0 : i32
    %scan3A_6 = arith.constant 0 : i32
    %scan3A_7 = arith.constant 640 : i32
    %scan3A_8 = arith.addi %scan3A_6, %scan3A_7 : i32
    %scan3A_9 = arith.constant 1 : i32
    scf.for %scan3A_23 = %scan3A_6 to %scan3A_8 step %scan3A_9  : i32 {
      %broadcast_in_dim3A = arith.constant 0.000000e+00 : f32
      %broadcast_in_dim3A_24 = vector.broadcast %broadcast_in_dim3A : f32 to vector<16xf32>
      %swap3A = arith.index_cast %scan3A_23 : i32 to index
      %swap3A_25 = arith.constant 0 : index
      %swap3A_26 = tpu.vector_load %arg6[%swap3A, %swap3A_25] {strides = array<i32>} : memref<640x16xf32, #tpu.memory_space<vmem>>, vector<1x16xf32>,
      %swap3A_27 = vector.shape_cast %swap3A_26 : vector<1x16xf32> to vector<16xf32>
      %swap3A_28 = vector.shape_cast %broadcast_in_dim3A_24 : vector<16xf32> to vector<1x16xf32>
      tpu.vector_store %arg6[%swap3A, %swap3A_25], %swap3A_28 {strides = array<i32>} : memref<640x16xf32, #tpu.memory_space<vmem>>, vector<1x16xf32>,
    }
    %scan3A_10 = arith.constant 640 : i32
    %mul3A = arith.constant 640 : i32
    %mul3A_11 = arith.muli %arg1, %mul3A : i32
    "tpu.region"() ({
      %run_scoped3A = tpu.sem_alloc : memref<!tpu.dma_semaphore, #tpu.memory_space<semaphore_mem>>
      %dma_start3A = arith.constant 0 : i32
      %dma_start3A_23 = tpu.memref_slice %arg7[%mul3A_11, %dma_start3A] : memref<10240x16xf32, #tpu.memory_space<vmem_shared>> -> memref<640x16xf32, #tpu.memory_space<vmem_shared>>
      %dma_start3A_24 = arith.constant 0 : i32
      %dma_start3A_25 = tpu.memref_slice %arg7[%mul3A_11, %dma_start3A_24] : memref<10240x16xf32, #tpu.memory_space<vmem_shared>> -> memref<640x16xf32, #tpu.memory_space<vmem_shared>>
      tpu.enqueue_dma source(%arg6 : memref<640x16xf32, #tpu.memory_space<vmem>>) target(%dma_start3A_25 : memref<640x16xf32, #tpu.memory_space<vmem_shared>>) target_semaphore(%run_scoped3A : memref<!tpu.dma_semaphore, #tpu.memory_space<semaphore_mem>>)
      %dma_wait3A = arith.constant 0 : i32
      %dma_wait3A_26 = tpu.memref_slice %arg7[%mul3A_11, %dma_wait3A] : memref<10240x16xf32, #tpu.memory_space<vmem_shared>> -> memref<640x16xf32, #tpu.memory_space<vmem_shared>>
      %dma_wait3A_27 = arith.constant 0 : i32
      %dma_wait3A_28 = tpu.memref_slice %arg7[%mul3A_11, %dma_wait3A_27] : memref<10240x16xf32, #tpu.memory_space<vmem_shared>> -> memref<640x16xf32, #tpu.memory_space<vmem_shared>>
      tpu.wait_dma2 semaphore(%run_scoped3A : memref<!tpu.dma_semaphore, #tpu.memory_space<semaphore_mem>>) src(%arg6 : memref<640x16xf32, #tpu.memory_space<vmem>>) dst(%dma_wait3A_28 : memref<640x16xf32, #tpu.memory_space<vmem_shared>>)
      tpu.yield
    }) : () -> ()
    %barrier3A = arith.constant 0 : index
    tpu.barrier barrier_id(%barrier3A)
    "tpu.region"() ({
      %run_scoped3A = tpu.sem_alloc : memref<!tpu.dma_semaphore, #tpu.memory_space<semaphore_mem>>
      %dma_start3A = arith.constant 0 : i32
      %dma_start3A_23 = tpu.memref_slice %arg2[%arg0, %arg1, %dma_start3A] : memref<2x16x20000xi32, #tpu.memory_space<hbm>> -> memref<1x1x20000xi32, #tpu.memory_space<hbm>>
      %dma_start3A_24 = tpu.memref_squeeze %dma_start3A_23 : memref<1x1x20000xi32, #tpu.memory_space<hbm>> -> memref<20000xi32, #tpu.memory_space<hbm>>
      %dma_start3A_25 = arith.constant 0 : i32
      %dma_start3A_26 = tpu.memref_slice %arg2[%arg0, %arg1, %dma_start3A_25] : memref<2x16x20000xi32, #tpu.memory_space<hbm>> -> memref<1x1x20000xi32, #tpu.memory_space<hbm>>
      %dma_start3A_27 = tpu.memref_squeeze %dma_start3A_26 : memref<1x1x20000xi32, #tpu.memory_space<hbm>> -> memref<20000xi32, #tpu.memory_space<hbm>>
      tpu.enqueue_dma source(%dma_start3A_27 : memref<20000xi32, #tpu.memory_space<hbm>>) target(%arg4 : memref<20000xi32, #tpu.memory_space<vmem>>) target_semaphore(%run_scoped3A : memref<!tpu.dma_semaphore, #tpu.memory_space<semaphore_mem>>)
      %dma_wait3A = arith.constant 0 : i32
      %dma_wait3A_28 = tpu.memref_slice %arg2[%arg0, %arg1, %dma_wait3A] : memref<2x16x20000xi32, #tpu.memory_space<hbm>> -> memref<1x1x20000xi32, #tpu.memory_space<hbm>>
      %dma_wait3A_29 = tpu.memref_squeeze %dma_wait3A_28 : memref<1x1x20000xi32, #tpu.memory_space<hbm>> -> memref<20000xi32, #tpu.memory_space<hbm>>
      %dma_wait3A_30 = arith.constant 0 : i32
      %dma_wait3A_31 = tpu.memref_slice %arg2[%arg0, %arg1, %dma_wait3A_30] : memref<2x16x20000xi32, #tpu.memory_space<hbm>> -> memref<1x1x20000xi32, #tpu.memory_space<hbm>>
      %dma_wait3A_32 = tpu.memref_squeeze %dma_wait3A_31 : memref<1x1x20000xi32, #tpu.memory_space<hbm>> -> memref<20000xi32, #tpu.memory_space<hbm>>
      tpu.wait_dma2 semaphore(%run_scoped3A : memref<!tpu.dma_semaphore, #tpu.memory_space<semaphore_mem>>) src(%dma_wait3A_32 : memref<20000xi32, #tpu.memory_space<hbm>>) dst(%arg4 : memref<20000xi32, #tpu.memory_space<vmem>>)
      tpu.yield
    }) : () -> ()
    %scan3A_12 = arith.constant 0 : i32
    %scan3A_13 = arith.constant 0 : i32
    %scan3A_14 = arith.constant 50 : i32
    %scan3A_15 = arith.addi %scan3A_13, %scan3A_14 : i32
    %scan3A_16 = arith.constant 1 : i32
    scf.for %scan3A_23 = %scan3A_13 to %scan3A_15 step %scan3A_16  : i32 {
      %mul3A_24 = arith.constant 400 : i32
      %mul3A_25 = arith.muli %scan3A_23, %mul3A_24 : i32
      "tpu.region"() ({
        %run_scoped3A = tpu.sem_alloc : memref<!tpu.dma_semaphore, #tpu.memory_space<semaphore_mem>>
        %dma_start3A = tpu.memref_slice %arg4[%mul3A_25] : memref<20000xi32, #tpu.memory_space<vmem>> -> memref<400xi32, #tpu.memory_space<vmem>>
        %dma_start3A_26 = arith.constant 0 : i32
        %dma_start3A_27 = arith.constant 0 : i32
        %dma_start3A_28 = tpu.memref_slice %arg7[%dma_start3A_26, %dma_start3A_27] : memref<10240x16xf32, #tpu.memory_space<vmem_shared>> -> memref<10240x16xf32, #tpu.memory_space<vmem_shared>>
        tpu.enqueue_indirect_dma source(%arg5 : memref<400x16xf32, #tpu.memory_space<vmem>>) target(%dma_start3A_28 : memref<10240x16xf32, #tpu.memory_space<vmem_shared>>) offsets(%dma_start3A : memref<400xi32, #tpu.memory_space<vmem>>) semaphore(%run_scoped3A : memref<!tpu.dma_semaphore, #tpu.memory_space<semaphore_mem>>) {add = true}
        %dma_wait3A = tpu.memref_slice %arg4[%mul3A_25] : memref<20000xi32, #tpu.memory_space<vmem>> -> memref<400xi32, #tpu.memory_space<vmem>>
        %dma_wait3A_29 = arith.constant 0 : i32
        %dma_wait3A_30 = arith.constant 0 : i32
        %dma_wait3A_31 = tpu.memref_slice %arg7[%dma_wait3A_29, %dma_wait3A_30] : memref<10240x16xf32, #tpu.memory_space<vmem_shared>> -> memref<10240x16xf32, #tpu.memory_space<vmem_shared>>
        tpu.wait_indirect_dma semaphore(%run_scoped3A : memref<!tpu.dma_semaphore, #tpu.memory_space<semaphore_mem>>) src(%arg5 : memref<400x16xf32, #tpu.memory_space<vmem>>) dst(%dma_wait3A_31 : memref<10240x16xf32, #tpu.memory_space<vmem_shared>>)
        tpu.yield
      }) : () -> ()
    }
    %scan3A_17 = arith.constant 50 : i32
    %barrier3A_18 = arith.constant 0 : index
    tpu.barrier barrier_id(%barrier3A_18)
    %mul3A_19 = arith.constant 640 : i32
    %mul3A_20 = arith.muli %arg1, %mul3A_19 : i32
    "tpu.region"() ({
      %run_scoped3A = tpu.sem_alloc : memref<!tpu.dma_semaphore, #tpu.memory_space<semaphore_mem>>
      %dma_start3A = arith.constant 0 : i32
      %dma_start3A_23 = tpu.memref_slice %arg7[%mul3A_20, %dma_start3A] : memref<10240x16xf32, #tpu.memory_space<vmem_shared>> -> memref<640x16xf32, #tpu.memory_space<vmem_shared>>
      %dma_start3A_24 = arith.constant 0 : i32
      %dma_start3A_25 = tpu.memref_slice %arg7[%mul3A_20, %dma_start3A_24] : memref<10240x16xf32, #tpu.memory_space<vmem_shared>> -> memref<640x16xf32, #tpu.memory_space<vmem_shared>>
      tpu.enqueue_dma source(%dma_start3A_25 : memref<640x16xf32, #tpu.memory_space<vmem_shared>>) target(%arg6 : memref<640x16xf32, #tpu.memory_space<vmem>>) target_semaphore(%run_scoped3A : memref<!tpu.dma_semaphore, #tpu.memory_space<semaphore_mem>>)
      %dma_wait3A = arith.constant 0 : i32
      %dma_wait3A_26 = tpu.memref_slice %arg7[%mul3A_20, %dma_wait3A] : memref<10240x16xf32, #tpu.memory_space<vmem_shared>> -> memref<640x16xf32, #tpu.memory_space<vmem_shared>>
      %dma_wait3A_27 = arith.constant 0 : i32
      %dma_wait3A_28 = tpu.memref_slice %arg7[%mul3A_20, %dma_wait3A_27] : memref<10240x16xf32, #tpu.memory_space<vmem_shared>> -> memref<640x16xf32, #tpu.memory_space<vmem_shared>>
      tpu.wait_dma2 semaphore(%run_scoped3A : memref<!tpu.dma_semaphore, #tpu.memory_space<semaphore_mem>>) src(%dma_wait3A_28 : memref<640x16xf32, #tpu.memory_space<vmem_shared>>) dst(%arg6 : memref<640x16xf32, #tpu.memory_space<vmem>>)
      tpu.yield
    }) : () -> ()
    %mul3A_21 = arith.constant 640 : i32
    %mul3A_22 = arith.muli %arg1, %mul3A_21 : i32
    "tpu.region"() ({
      %run_scoped3A = tpu.sem_alloc : memref<!tpu.dma_semaphore, #tpu.memory_space<semaphore_mem>>
      %dma_start3A = arith.constant 0 : i32
      %dma_start3A_23 = tpu.memref_slice %arg3[%arg0, %mul3A_22, %dma_start3A] : memref<2x10240x16xf32, #tpu.memory_space<hbm>> -> memref<1x640x16xf32, #tpu.memory_space<hbm>>
      %dma_start3A_24 = tpu.memref_squeeze %dma_start3A_23 : memref<1x640x16xf32, #tpu.memory_space<hbm>> -> memref<640x16xf32, #tpu.memory_space<hbm>>
      %dma_start3A_25 = arith.constant 0 : i32
      %dma_start3A_26 = tpu.memref_slice %arg3[%arg0, %mul3A_22, %dma_start3A_25] : memref<2x10240x16xf32, #tpu.memory_space<hbm>> -> memref<1x640x16xf32, #tpu.memory_space<hbm>>
      %dma_start3A_27 = tpu.memref_squeeze %dma_start3A_26 : memref<1x640x16xf32, #tpu.memory_space<hbm>> -> memref<640x16xf32, #tpu.memory_space<hbm>>
      tpu.enqueue_dma source(%arg6 : memref<640x16xf32, #tpu.memory_space<vmem>>) target(%dma_start3A_27 : memref<640x16xf32, #tpu.memory_space<hbm>>) target_semaphore(%run_scoped3A : memref<!tpu.dma_semaphore, #tpu.memory_space<semaphore_mem>>)
      %dma_wait3A = arith.constant 0 : i32
      %dma_wait3A_28 = tpu.memref_slice %arg3[%arg0, %mul3A_22, %dma_wait3A] : memref<2x10240x16xf32, #tpu.memory_space<hbm>> -> memref<1x640x16xf32, #tpu.memory_space<hbm>>
      %dma_wait3A_29 = tpu.memref_squeeze %dma_wait3A_28 : memref<1x640x16xf32, #tpu.memory_space<hbm>> -> memref<640x16xf32, #tpu.memory_space<hbm>>
      %dma_wait3A_30 = arith.constant 0 : i32
      %dma_wait3A_31 = tpu.memref_slice %arg3[%arg0, %mul3A_22, %dma_wait3A_30] : memref<2x10240x16xf32, #tpu.memory_space<hbm>> -> memref<1x640x16xf32, #tpu.memory_space<hbm>>
      %dma_wait3A_32 = tpu.memref_squeeze %dma_wait3A_31 : memref<1x640x16xf32, #tpu.memory_space<hbm>> -> memref<640x16xf32, #tpu.memory_space<hbm>>
      tpu.wait_dma2 semaphore(%run_scoped3A : memref<!tpu.dma_semaphore, #tpu.memory_space<semaphore_mem>>) src(%arg6 : memref<640x16xf32, #tpu.memory_space<vmem>>) dst(%dma_wait3A_32 : memref<640x16xf32, #tpu.memory_space<hbm>>)
      tpu.yield
    }) : () -> ()
    return
  }
}

#map = affine_map<(d0, d1) -> (0, 0, 0)>
#map1 = affine_map<(d0, d1) -> (0, 0)>
module attributes {stable_mosaic.version = 14 : i64} {
  func.func @_segsum_kernel(%arg0: i32, %arg1: i32, %arg2: memref<2x10240x64xbf16, #tpu.memory_space<hbm>>, %arg3: memref<16x20000xi32, #tpu.memory_space<hbm>>, %arg4: memref<16x20000xi32, #tpu.memory_space<hbm>>, %arg5: memref<2x10240x64xbf16, #tpu.memory_space<hbm>>, %arg6: memref<20000xi32, #tpu.memory_space<vmem>>, %arg7: memref<20000xi32, #tpu.memory_space<vmem>>, %arg8: memref<400x64xbf16, #tpu.memory_space<vmem>>, %arg9: memref<400x64xbf16, #tpu.memory_space<vmem>>, %arg10: memref<10240x64xbf16, #tpu.memory_space<vmem_shared>>, %arg11: memref<10240x64xbf16, #tpu.memory_space<vmem_shared>>, %arg12: memref<!tpu.dma_semaphore, #tpu.memory_space<semaphore_mem>>, %arg13: memref<!tpu.dma_semaphore, #tpu.memory_space<semaphore_mem>>) attributes {dimension_semantics = [#tpu.dimension_semantics<core_parallel>, #tpu.dimension_semantics<subcore_parallel>], iteration_bounds = array<i64: 2, 16>, scalar_prefetch = 0 : i64, scratch_operands = 8 : i64, tpu.core_type = #tpu.core_type<sc_vector_subcore>, window_params = [{transform_indices = #map}, {transform_indices = #map1}, {transform_indices = #map1}, {transform_indices = #map}]} {
    %scan3A = arith.constant 0 : i32
    %scan3A_0 = arith.constant 0 : i32
    %scan3A_1 = arith.constant 400 : i32
    %scan3A_2 = arith.addi %scan3A_0, %scan3A_1 : i32
    %scan3A_3 = arith.constant 1 : i32
    scf.for %scan3A_45 = %scan3A_0 to %scan3A_2 step %scan3A_3  : i32 {
      %broadcast_in_dim3A = arith.constant 0.000000e+00 : bf16
      %broadcast_in_dim3A_46 = vector.broadcast %broadcast_in_dim3A : bf16 to vector<32xbf16>
      %swap3A = arith.index_cast %scan3A_45 : i32 to index
      %swap3A_47 = arith.constant 0 : index
      %swap3A_48 = tpu.vector_load %arg8[%swap3A, %swap3A_47] {strides = array<i32>} : memref<400x64xbf16, #tpu.memory_space<vmem>>, vector<1x32xbf16>,
      %swap3A_49 = vector.shape_cast %swap3A_48 : vector<1x32xbf16> to vector<32xbf16>
      %swap3A_50 = vector.shape_cast %broadcast_in_dim3A_46 : vector<32xbf16> to vector<1x32xbf16>
      tpu.vector_store %arg8[%swap3A, %swap3A_47], %swap3A_50 {strides = array<i32>} : memref<400x64xbf16, #tpu.memory_space<vmem>>, vector<1x32xbf16>,
      %broadcast_in_dim3A_51 = arith.constant 0.000000e+00 : bf16
      %broadcast_in_dim3A_52 = vector.broadcast %broadcast_in_dim3A_51 : bf16 to vector<32xbf16>
      %swap3A_53 = arith.index_cast %scan3A_45 : i32 to index
      %swap3A_54 = arith.constant 32 : index
      %swap3A_55 = tpu.vector_load %arg8[%swap3A_53, %swap3A_54] {strides = array<i32>} : memref<400x64xbf16, #tpu.memory_space<vmem>>, vector<1x32xbf16>,
      %swap3A_56 = vector.shape_cast %swap3A_55 : vector<1x32xbf16> to vector<32xbf16>
      %swap3A_57 = vector.shape_cast %broadcast_in_dim3A_52 : vector<32xbf16> to vector<1x32xbf16>
      tpu.vector_store %arg8[%swap3A_53, %swap3A_54], %swap3A_57 {strides = array<i32>} : memref<400x64xbf16, #tpu.memory_space<vmem>>, vector<1x32xbf16>,
    }
    %scan3A_4 = arith.constant 400 : i32
    %mul3A = arith.constant 640 : i32
    %mul3A_5 = arith.muli %arg1, %mul3A : i32
    %add3A = arith.constant 0 : i32
    %add3A_6 = arith.addi %mul3A_5, %add3A : i32
    "tpu.region"() ({
      %run_scoped3A = tpu.sem_alloc : memref<!tpu.dma_semaphore, #tpu.memory_space<semaphore_mem>>
      %dma_start3A_45 = arith.constant 0 : i32
      %dma_start3A_46 = arith.constant 0 : i32
      %dma_start3A_47 = tpu.memref_slice %arg8[%dma_start3A_45, %dma_start3A_46] : memref<400x64xbf16, #tpu.memory_space<vmem>> -> memref<400x64xbf16, #tpu.memory_space<vmem>>
      %dma_start3A_48 = arith.constant 0 : i32
      %dma_start3A_49 = tpu.memref_slice %arg10[%add3A_6, %dma_start3A_48] : memref<10240x64xbf16, #tpu.memory_space<vmem_shared>> -> memref<400x64xbf16, #tpu.memory_space<vmem_shared>>
      %dma_start3A_50 = arith.constant 0 : i32
      %dma_start3A_51 = tpu.memref_slice %arg10[%add3A_6, %dma_start3A_50] : memref<10240x64xbf16, #tpu.memory_space<vmem_shared>> -> memref<400x64xbf16, #tpu.memory_space<vmem_shared>>
      %dma_start3A_52 = arith.constant 0 : i32
      %dma_start3A_53 = arith.constant 0 : i32
      %dma_start3A_54 = tpu.memref_slice %arg8[%dma_start3A_52, %dma_start3A_53] : memref<400x64xbf16, #tpu.memory_space<vmem>> -> memref<400x64xbf16, #tpu.memory_space<vmem>>
      tpu.enqueue_dma source(%dma_start3A_54 : memref<400x64xbf16, #tpu.memory_space<vmem>>) target(%dma_start3A_51 : memref<400x64xbf16, #tpu.memory_space<vmem_shared>>) target_semaphore(%run_scoped3A : memref<!tpu.dma_semaphore, #tpu.memory_space<semaphore_mem>>)
      %dma_wait3A = arith.constant 0 : i32
      %dma_wait3A_55 = arith.constant 0 : i32
      %dma_wait3A_56 = tpu.memref_slice %arg8[%dma_wait3A, %dma_wait3A_55] : memref<400x64xbf16, #tpu.memory_space<vmem>> -> memref<400x64xbf16, #tpu.memory_space<vmem>>
      %dma_wait3A_57 = arith.constant 0 : i32
      %dma_wait3A_58 = tpu.memref_slice %arg10[%add3A_6, %dma_wait3A_57] : memref<10240x64xbf16, #tpu.memory_space<vmem_shared>> -> memref<400x64xbf16, #tpu.memory_space<vmem_shared>>
      %dma_wait3A_59 = arith.constant 0 : i32
      %dma_wait3A_60 = tpu.memref_slice %arg10[%add3A_6, %dma_wait3A_59] : memref<10240x64xbf16, #tpu.memory_space<vmem_shared>> -> memref<400x64xbf16, #tpu.memory_space<vmem_shared>>
      %dma_wait3A_61 = arith.constant 0 : i32
      %dma_wait3A_62 = arith.constant 0 : i32
      %dma_wait3A_63 = tpu.memref_slice %arg8[%dma_wait3A_61, %dma_wait3A_62] : memref<400x64xbf16, #tpu.memory_space<vmem>> -> memref<400x64xbf16, #tpu.memory_space<vmem>>
      tpu.wait_dma2 semaphore(%run_scoped3A : memref<!tpu.dma_semaphore, #tpu.memory_space<semaphore_mem>>) src(%dma_wait3A_63 : memref<400x64xbf16, #tpu.memory_space<vmem>>) dst(%dma_wait3A_60 : memref<400x64xbf16, #tpu.memory_space<vmem_shared>>)
      tpu.yield
    }) : () -> ()
    %mul3A_7 = arith.constant 640 : i32
    %mul3A_8 = arith.muli %arg1, %mul3A_7 : i32
    %add3A_9 = arith.constant 400 : i32
    %add3A_10 = arith.addi %mul3A_8, %add3A_9 : i32
    "tpu.region"() ({
      %run_scoped3A = tpu.sem_alloc : memref<!tpu.dma_semaphore, #tpu.memory_space<semaphore_mem>>
      %dma_start3A_45 = arith.constant 0 : i32
      %dma_start3A_46 = arith.constant 0 : i32
      %dma_start3A_47 = tpu.memref_slice %arg8[%dma_start3A_45, %dma_start3A_46] : memref<400x64xbf16, #tpu.memory_space<vmem>> -> memref<240x64xbf16, #tpu.memory_space<vmem>>
      %dma_start3A_48 = arith.constant 0 : i32
      %dma_start3A_49 = tpu.memref_slice %arg10[%add3A_10, %dma_start3A_48] : memref<10240x64xbf16, #tpu.memory_space<vmem_shared>> -> memref<240x64xbf16, #tpu.memory_space<vmem_shared>>
      %dma_start3A_50 = arith.constant 0 : i32
      %dma_start3A_51 = tpu.memref_slice %arg10[%add3A_10, %dma_start3A_50] : memref<10240x64xbf16, #tpu.memory_space<vmem_shared>> -> memref<240x64xbf16, #tpu.memory_space<vmem_shared>>
      %dma_start3A_52 = arith.constant 0 : i32
      %dma_start3A_53 = arith.constant 0 : i32
      %dma_start3A_54 = tpu.memref_slice %arg8[%dma_start3A_52, %dma_start3A_53] : memref<400x64xbf16, #tpu.memory_space<vmem>> -> memref<240x64xbf16, #tpu.memory_space<vmem>>
      tpu.enqueue_dma source(%dma_start3A_54 : memref<240x64xbf16, #tpu.memory_space<vmem>>) target(%dma_start3A_51 : memref<240x64xbf16, #tpu.memory_space<vmem_shared>>) target_semaphore(%run_scoped3A : memref<!tpu.dma_semaphore, #tpu.memory_space<semaphore_mem>>)
      %dma_wait3A = arith.constant 0 : i32
      %dma_wait3A_55 = arith.constant 0 : i32
      %dma_wait3A_56 = tpu.memref_slice %arg8[%dma_wait3A, %dma_wait3A_55] : memref<400x64xbf16, #tpu.memory_space<vmem>> -> memref<240x64xbf16, #tpu.memory_space<vmem>>
      %dma_wait3A_57 = arith.constant 0 : i32
      %dma_wait3A_58 = tpu.memref_slice %arg10[%add3A_10, %dma_wait3A_57] : memref<10240x64xbf16, #tpu.memory_space<vmem_shared>> -> memref<240x64xbf16, #tpu.memory_space<vmem_shared>>
      %dma_wait3A_59 = arith.constant 0 : i32
      %dma_wait3A_60 = tpu.memref_slice %arg10[%add3A_10, %dma_wait3A_59] : memref<10240x64xbf16, #tpu.memory_space<vmem_shared>> -> memref<240x64xbf16, #tpu.memory_space<vmem_shared>>
      %dma_wait3A_61 = arith.constant 0 : i32
      %dma_wait3A_62 = arith.constant 0 : i32
      %dma_wait3A_63 = tpu.memref_slice %arg8[%dma_wait3A_61, %dma_wait3A_62] : memref<400x64xbf16, #tpu.memory_space<vmem>> -> memref<240x64xbf16, #tpu.memory_space<vmem>>
      tpu.wait_dma2 semaphore(%run_scoped3A : memref<!tpu.dma_semaphore, #tpu.memory_space<semaphore_mem>>) src(%dma_wait3A_63 : memref<240x64xbf16, #tpu.memory_space<vmem>>) dst(%dma_wait3A_60 : memref<240x64xbf16, #tpu.memory_space<vmem_shared>>)
      tpu.yield
    }) : () -> ()
    %mul3A_11 = arith.constant 640 : i32
    %mul3A_12 = arith.muli %arg1, %mul3A_11 : i32
    "tpu.region"() ({
      %run_scoped3A = tpu.sem_alloc : memref<!tpu.dma_semaphore, #tpu.memory_space<semaphore_mem>>
      %dma_start3A_45 = arith.constant 0 : i32
      %dma_start3A_46 = tpu.memref_slice %arg11[%mul3A_12, %dma_start3A_45] : memref<10240x64xbf16, #tpu.memory_space<vmem_shared>> -> memref<640x64xbf16, #tpu.memory_space<vmem_shared>>
      %dma_start3A_47 = arith.constant 0 : i32
      %dma_start3A_48 = tpu.memref_slice %arg2[%arg0, %mul3A_12, %dma_start3A_47] : memref<2x10240x64xbf16, #tpu.memory_space<hbm>> -> memref<1x640x64xbf16, #tpu.memory_space<hbm>>
      %dma_start3A_49 = tpu.memref_squeeze %dma_start3A_48 : memref<1x640x64xbf16, #tpu.memory_space<hbm>> -> memref<640x64xbf16, #tpu.memory_space<hbm>>
      tpu.enqueue_dma source(%dma_start3A_49 : memref<640x64xbf16, #tpu.memory_space<hbm>>) target(%dma_start3A_46 : memref<640x64xbf16, #tpu.memory_space<vmem_shared>>) target_semaphore(%run_scoped3A : memref<!tpu.dma_semaphore, #tpu.memory_space<semaphore_mem>>)
      %dma_wait3A = arith.constant 0 : i32
      %dma_wait3A_50 = tpu.memref_slice %arg11[%mul3A_12, %dma_wait3A] : memref<10240x64xbf16, #tpu.memory_space<vmem_shared>> -> memref<640x64xbf16, #tpu.memory_space<vmem_shared>>
      %dma_wait3A_51 = arith.constant 0 : i32
      %dma_wait3A_52 = tpu.memref_slice %arg2[%arg0, %mul3A_12, %dma_wait3A_51] : memref<2x10240x64xbf16, #tpu.memory_space<hbm>> -> memref<1x640x64xbf16, #tpu.memory_space<hbm>>
      %dma_wait3A_53 = tpu.memref_squeeze %dma_wait3A_52 : memref<1x640x64xbf16, #tpu.memory_space<hbm>> -> memref<640x64xbf16, #tpu.memory_space<hbm>>
      tpu.wait_dma2 semaphore(%run_scoped3A : memref<!tpu.dma_semaphore, #tpu.memory_space<semaphore_mem>>) src(%dma_wait3A_53 : memref<640x64xbf16, #tpu.memory_space<hbm>>) dst(%dma_wait3A_50 : memref<640x64xbf16, #tpu.memory_space<vmem_shared>>)
      tpu.yield
    }) : () -> ()
    %barrier3A = arith.constant 0 : index
    tpu.barrier barrier_id(%barrier3A)
    "tpu.region"() ({
      %run_scoped3A = tpu.sem_alloc : memref<!tpu.dma_semaphore, #tpu.memory_space<semaphore_mem>>
      %dma_start3A_45 = arith.constant 0 : i32
      %dma_start3A_46 = tpu.memref_slice %arg3[%arg1, %dma_start3A_45] : memref<16x20000xi32, #tpu.memory_space<hbm>> -> memref<1x20000xi32, #tpu.memory_space<hbm>>
      %dma_start3A_47 = tpu.memref_squeeze %dma_start3A_46 : memref<1x20000xi32, #tpu.memory_space<hbm>> -> memref<20000xi32, #tpu.memory_space<hbm>>
      %dma_start3A_48 = arith.constant 0 : i32
      %dma_start3A_49 = tpu.memref_slice %arg3[%arg1, %dma_start3A_48] : memref<16x20000xi32, #tpu.memory_space<hbm>> -> memref<1x20000xi32, #tpu.memory_space<hbm>>
      %dma_start3A_50 = tpu.memref_squeeze %dma_start3A_49 : memref<1x20000xi32, #tpu.memory_space<hbm>> -> memref<20000xi32, #tpu.memory_space<hbm>>
      tpu.enqueue_dma source(%dma_start3A_50 : memref<20000xi32, #tpu.memory_space<hbm>>) target(%arg6 : memref<20000xi32, #tpu.memory_space<vmem>>) target_semaphore(%run_scoped3A : memref<!tpu.dma_semaphore, #tpu.memory_space<semaphore_mem>>)
      %dma_wait3A = arith.constant 0 : i32
      %dma_wait3A_51 = tpu.memref_slice %arg3[%arg1, %dma_wait3A] : memref<16x20000xi32, #tpu.memory_space<hbm>> -> memref<1x20000xi32, #tpu.memory_space<hbm>>
      %dma_wait3A_52 = tpu.memref_squeeze %dma_wait3A_51 : memref<1x20000xi32, #tpu.memory_space<hbm>> -> memref<20000xi32, #tpu.memory_space<hbm>>
      %dma_wait3A_53 = arith.constant 0 : i32
      %dma_wait3A_54 = tpu.memref_slice %arg3[%arg1, %dma_wait3A_53] : memref<16x20000xi32, #tpu.memory_space<hbm>> -> memref<1x20000xi32, #tpu.memory_space<hbm>>
      %dma_wait3A_55 = tpu.memref_squeeze %dma_wait3A_54 : memref<1x20000xi32, #tpu.memory_space<hbm>> -> memref<20000xi32, #tpu.memory_space<hbm>>
      tpu.wait_dma2 semaphore(%run_scoped3A : memref<!tpu.dma_semaphore, #tpu.memory_space<semaphore_mem>>) src(%dma_wait3A_55 : memref<20000xi32, #tpu.memory_space<hbm>>) dst(%arg6 : memref<20000xi32, #tpu.memory_space<vmem>>)
      tpu.yield
    }) : () -> ()
    "tpu.region"() ({
      %run_scoped3A = tpu.sem_alloc : memref<!tpu.dma_semaphore, #tpu.memory_space<semaphore_mem>>
      %dma_start3A_45 = arith.constant 0 : i32
      %dma_start3A_46 = tpu.memref_slice %arg4[%arg1, %dma_start3A_45] : memref<16x20000xi32, #tpu.memory_space<hbm>> -> memref<1x20000xi32, #tpu.memory_space<hbm>>
      %dma_start3A_47 = tpu.memref_squeeze %dma_start3A_46 : memref<1x20000xi32, #tpu.memory_space<hbm>> -> memref<20000xi32, #tpu.memory_space<hbm>>
      %dma_start3A_48 = arith.constant 0 : i32
      %dma_start3A_49 = tpu.memref_slice %arg4[%arg1, %dma_start3A_48] : memref<16x20000xi32, #tpu.memory_space<hbm>> -> memref<1x20000xi32, #tpu.memory_space<hbm>>
      %dma_start3A_50 = tpu.memref_squeeze %dma_start3A_49 : memref<1x20000xi32, #tpu.memory_space<hbm>> -> memref<20000xi32, #tpu.memory_space<hbm>>
      tpu.enqueue_dma source(%dma_start3A_50 : memref<20000xi32, #tpu.memory_space<hbm>>) target(%arg7 : memref<20000xi32, #tpu.memory_space<vmem>>) target_semaphore(%run_scoped3A : memref<!tpu.dma_semaphore, #tpu.memory_space<semaphore_mem>>)
      %dma_wait3A = arith.constant 0 : i32
      %dma_wait3A_51 = tpu.memref_slice %arg4[%arg1, %dma_wait3A] : memref<16x20000xi32, #tpu.memory_space<hbm>> -> memref<1x20000xi32, #tpu.memory_space<hbm>>
      %dma_wait3A_52 = tpu.memref_squeeze %dma_wait3A_51 : memref<1x20000xi32, #tpu.memory_space<hbm>> -> memref<20000xi32, #tpu.memory_space<hbm>>
      %dma_wait3A_53 = arith.constant 0 : i32
      %dma_wait3A_54 = tpu.memref_slice %arg4[%arg1, %dma_wait3A_53] : memref<16x20000xi32, #tpu.memory_space<hbm>> -> memref<1x20000xi32, #tpu.memory_space<hbm>>
      %dma_wait3A_55 = tpu.memref_squeeze %dma_wait3A_54 : memref<1x20000xi32, #tpu.memory_space<hbm>> -> memref<20000xi32, #tpu.memory_space<hbm>>
      tpu.wait_dma2 semaphore(%run_scoped3A : memref<!tpu.dma_semaphore, #tpu.memory_space<semaphore_mem>>) src(%dma_wait3A_55 : memref<20000xi32, #tpu.memory_space<hbm>>) dst(%arg7 : memref<20000xi32, #tpu.memory_space<vmem>>)
      tpu.yield
    }) : () -> ()
    %dma_start3A = arith.constant 0 : i32
    %dma_start3A_13 = tpu.memref_slice %arg6[%dma_start3A] : memref<20000xi32, #tpu.memory_space<vmem>> -> memref<400xi32, #tpu.memory_space<vmem>>
    %dma_start3A_14 = arith.constant 0 : i32
    %dma_start3A_15 = arith.constant 0 : i32
    %dma_start3A_16 = tpu.memref_slice %arg11[%dma_start3A_14, %dma_start3A_15] : memref<10240x64xbf16, #tpu.memory_space<vmem_shared>> -> memref<10240x64xbf16, #tpu.memory_space<vmem_shared>>
    tpu.enqueue_indirect_dma source(%dma_start3A_16 : memref<10240x64xbf16, #tpu.memory_space<vmem_shared>>) target(%arg8 : memref<400x64xbf16, #tpu.memory_space<vmem>>) offsets(%dma_start3A_13 : memref<400xi32, #tpu.memory_space<vmem>>) semaphore(%arg12 : memref<!tpu.dma_semaphore, #tpu.memory_space<semaphore_mem>>)
    %dma_start3A_17 = arith.constant 400 : i32
    %dma_start3A_18 = tpu.memref_slice %arg6[%dma_start3A_17] : memref<20000xi32, #tpu.memory_space<vmem>> -> memref<400xi32, #tpu.memory_space<vmem>>
    %dma_start3A_19 = arith.constant 0 : i32
    %dma_start3A_20 = arith.constant 0 : i32
    %dma_start3A_21 = tpu.memref_slice %arg11[%dma_start3A_19, %dma_start3A_20] : memref<10240x64xbf16, #tpu.memory_space<vmem_shared>> -> memref<10240x64xbf16, #tpu.memory_space<vmem_shared>>
    tpu.enqueue_indirect_dma source(%dma_start3A_21 : memref<10240x64xbf16, #tpu.memory_space<vmem_shared>>) target(%arg9 : memref<400x64xbf16, #tpu.memory_space<vmem>>) offsets(%dma_start3A_18 : memref<400xi32, #tpu.memory_space<vmem>>) semaphore(%arg13 : memref<!tpu.dma_semaphore, #tpu.memory_space<semaphore_mem>>)
    %scan3A_22 = arith.constant 0 : i32
    %scan3A_23 = arith.constant 0 : i32
    %scan3A_24 = arith.constant 25 : i32
    %scan3A_25 = arith.addi %scan3A_23, %scan3A_24 : i32
    %scan3A_26 = arith.constant 1 : i32
    scf.for %scan3A_45 = %scan3A_23 to %scan3A_25 step %scan3A_26  : i32 {
      %mul3A_46 = arith.constant 2 : i32
      %mul3A_47 = arith.muli %scan3A_45, %mul3A_46 : i32
      %add3A_48 = arith.constant 0 : i32
      %add3A_49 = arith.addi %mul3A_47, %add3A_48 : i32
      %mul3A_50 = arith.constant 400 : i32
      %mul3A_51 = arith.muli %add3A_49, %mul3A_50 : i32
      %dma_wait3A = tpu.memref_slice %arg6[%mul3A_51] : memref<20000xi32, #tpu.memory_space<vmem>> -> memref<400xi32, #tpu.memory_space<vmem>>
      %dma_wait3A_52 = arith.constant 0 : i32
      %dma_wait3A_53 = arith.constant 0 : i32
      %dma_wait3A_54 = tpu.memref_slice %arg11[%dma_wait3A_52, %dma_wait3A_53] : memref<10240x64xbf16, #tpu.memory_space<vmem_shared>> -> memref<10240x64xbf16, #tpu.memory_space<vmem_shared>>
      tpu.wait_indirect_dma semaphore(%arg12 : memref<!tpu.dma_semaphore, #tpu.memory_space<semaphore_mem>>) src(%dma_wait3A_54 : memref<10240x64xbf16, #tpu.memory_space<vmem_shared>>) dst(%arg8 : memref<400x64xbf16, #tpu.memory_space<vmem>>)
      %mul3A_55 = arith.constant 400 : i32
      %mul3A_56 = arith.muli %add3A_49, %mul3A_55 : i32
      "tpu.region"() ({
        %run_scoped3A = tpu.sem_alloc : memref<!tpu.dma_semaphore, #tpu.memory_space<semaphore_mem>>
        %dma_start3A_80 = tpu.memref_slice %arg7[%mul3A_56] : memref<20000xi32, #tpu.memory_space<vmem>> -> memref<400xi32, #tpu.memory_space<vmem>>
        %dma_start3A_81 = arith.constant 0 : i32
        %dma_start3A_82 = arith.constant 0 : i32
        %dma_start3A_83 = tpu.memref_slice %arg10[%dma_start3A_81, %dma_start3A_82] : memref<10240x64xbf16, #tpu.memory_space<vmem_shared>> -> memref<10240x64xbf16, #tpu.memory_space<vmem_shared>>
        tpu.enqueue_indirect_dma source(%arg8 : memref<400x64xbf16, #tpu.memory_space<vmem>>) target(%dma_start3A_83 : memref<10240x64xbf16, #tpu.memory_space<vmem_shared>>) offsets(%dma_start3A_80 : memref<400xi32, #tpu.memory_space<vmem>>) semaphore(%run_scoped3A : memref<!tpu.dma_semaphore, #tpu.memory_space<semaphore_mem>>) {add = true}
        %dma_wait3A_84 = tpu.memref_slice %arg7[%mul3A_56] : memref<20000xi32, #tpu.memory_space<vmem>> -> memref<400xi32, #tpu.memory_space<vmem>>
        %dma_wait3A_85 = arith.constant 0 : i32
        %dma_wait3A_86 = arith.constant 0 : i32
        %dma_wait3A_87 = tpu.memref_slice %arg10[%dma_wait3A_85, %dma_wait3A_86] : memref<10240x64xbf16, #tpu.memory_space<vmem_shared>> -> memref<10240x64xbf16, #tpu.memory_space<vmem_shared>>
        tpu.wait_indirect_dma semaphore(%run_scoped3A : memref<!tpu.dma_semaphore, #tpu.memory_space<semaphore_mem>>) src(%arg8 : memref<400x64xbf16, #tpu.memory_space<vmem>>) dst(%dma_wait3A_87 : memref<10240x64xbf16, #tpu.memory_space<vmem_shared>>)
        tpu.yield
      }) : () -> ()
      %add3A_57 = arith.constant 2 : i32
      %add3A_58 = arith.addi %add3A_49, %add3A_57 : i32
      %lt3A = arith.constant 50 : i32
      %lt3A_59 = arith.cmpi slt, %add3A_58, %lt3A : i32
      %convert_element_type3A = arith.extui %lt3A_59 : i1 to i32
      %cond3A = arith.constant 0 : i32
      %cond3A_60 = arith.cmpi ne, %convert_element_type3A, %cond3A : i32
      scf.if %cond3A_60 {
        %add3A_80 = arith.constant 2 : i32
        %add3A_81 = arith.addi %add3A_49, %add3A_80 : i32
        %mul3A_82 = arith.constant 400 : i32
        %mul3A_83 = arith.muli %add3A_81, %mul3A_82 : i32
        %dma_start3A_84 = tpu.memref_slice %arg6[%mul3A_83] : memref<20000xi32, #tpu.memory_space<vmem>> -> memref<400xi32, #tpu.memory_space<vmem>>
        %dma_start3A_85 = arith.constant 0 : i32
        %dma_start3A_86 = arith.constant 0 : i32
        %dma_start3A_87 = tpu.memref_slice %arg11[%dma_start3A_85, %dma_start3A_86] : memref<10240x64xbf16, #tpu.memory_space<vmem_shared>> -> memref<10240x64xbf16, #tpu.memory_space<vmem_shared>>
        tpu.enqueue_indirect_dma source(%dma_start3A_87 : memref<10240x64xbf16, #tpu.memory_space<vmem_shared>>) target(%arg8 : memref<400x64xbf16, #tpu.memory_space<vmem>>) offsets(%dma_start3A_84 : memref<400xi32, #tpu.memory_space<vmem>>) semaphore(%arg12 : memref<!tpu.dma_semaphore, #tpu.memory_space<semaphore_mem>>)
      } else {
      }
      %mul3A_61 = arith.constant 2 : i32
      %mul3A_62 = arith.muli %scan3A_45, %mul3A_61 : i32
      %add3A_63 = arith.constant 1 : i32
      %add3A_64 = arith.addi %mul3A_62, %add3A_63 : i32
      %mul3A_65 = arith.constant 400 : i32
      %mul3A_66 = arith.muli %add3A_64, %mul3A_65 : i32
      %dma_wait3A_67 = tpu.memref_slice %arg6[%mul3A_66] : memref<20000xi32, #tpu.memory_space<vmem>> -> memref<400xi32, #tpu.memory_space<vmem>>
      %dma_wait3A_68 = arith.constant 0 : i32
      %dma_wait3A_69 = arith.constant 0 : i32
      %dma_wait3A_70 = tpu.memref_slice %arg11[%dma_wait3A_68, %dma_wait3A_69] : memref<10240x64xbf16, #tpu.memory_space<vmem_shared>> -> memref<10240x64xbf16, #tpu.memory_space<vmem_shared>>
      tpu.wait_indirect_dma semaphore(%arg13 : memref<!tpu.dma_semaphore, #tpu.memory_space<semaphore_mem>>) src(%dma_wait3A_70 : memref<10240x64xbf16, #tpu.memory_space<vmem_shared>>) dst(%arg9 : memref<400x64xbf16, #tpu.memory_space<vmem>>)
      %mul3A_71 = arith.constant 400 : i32
      %mul3A_72 = arith.muli %add3A_64, %mul3A_71 : i32
      "tpu.region"() ({
        %run_scoped3A = tpu.sem_alloc : memref<!tpu.dma_semaphore, #tpu.memory_space<semaphore_mem>>
        %dma_start3A_80 = tpu.memref_slice %arg7[%mul3A_72] : memref<20000xi32, #tpu.memory_space<vmem>> -> memref<400xi32, #tpu.memory_space<vmem>>
        %dma_start3A_81 = arith.constant 0 : i32
        %dma_start3A_82 = arith.constant 0 : i32
        %dma_start3A_83 = tpu.memref_slice %arg10[%dma_start3A_81, %dma_start3A_82] : memref<10240x64xbf16, #tpu.memory_space<vmem_shared>> -> memref<10240x64xbf16, #tpu.memory_space<vmem_shared>>
        tpu.enqueue_indirect_dma source(%arg9 : memref<400x64xbf16, #tpu.memory_space<vmem>>) target(%dma_start3A_83 : memref<10240x64xbf16, #tpu.memory_space<vmem_shared>>) offsets(%dma_start3A_80 : memref<400xi32, #tpu.memory_space<vmem>>) semaphore(%run_scoped3A : memref<!tpu.dma_semaphore, #tpu.memory_space<semaphore_mem>>) {add = true}
        %dma_wait3A_84 = tpu.memref_slice %arg7[%mul3A_72] : memref<20000xi32, #tpu.memory_space<vmem>> -> memref<400xi32, #tpu.memory_space<vmem>>
        %dma_wait3A_85 = arith.constant 0 : i32
        %dma_wait3A_86 = arith.constant 0 : i32
        %dma_wait3A_87 = tpu.memref_slice %arg10[%dma_wait3A_85, %dma_wait3A_86] : memref<10240x64xbf16, #tpu.memory_space<vmem_shared>> -> memref<10240x64xbf16, #tpu.memory_space<vmem_shared>>
        tpu.wait_indirect_dma semaphore(%run_scoped3A : memref<!tpu.dma_semaphore, #tpu.memory_space<semaphore_mem>>) src(%arg9 : memref<400x64xbf16, #tpu.memory_space<vmem>>) dst(%dma_wait3A_87 : memref<10240x64xbf16, #tpu.memory_space<vmem_shared>>)
        tpu.yield
      }) : () -> ()
      %add3A_73 = arith.constant 2 : i32
      %add3A_74 = arith.addi %add3A_64, %add3A_73 : i32
      %lt3A_75 = arith.constant 50 : i32
      %lt3A_76 = arith.cmpi slt, %add3A_74, %lt3A_75 : i32
      %convert_element_type3A_77 = arith.extui %lt3A_76 : i1 to i32
      %cond3A_78 = arith.constant 0 : i32
      %cond3A_79 = arith.cmpi ne, %convert_element_type3A_77, %cond3A_78 : i32
      scf.if %cond3A_79 {
        %add3A_80 = arith.constant 2 : i32
        %add3A_81 = arith.addi %add3A_64, %add3A_80 : i32
        %mul3A_82 = arith.constant 400 : i32
        %mul3A_83 = arith.muli %add3A_81, %mul3A_82 : i32
        %dma_start3A_84 = tpu.memref_slice %arg6[%mul3A_83] : memref<20000xi32, #tpu.memory_space<vmem>> -> memref<400xi32, #tpu.memory_space<vmem>>
        %dma_start3A_85 = arith.constant 0 : i32
        %dma_start3A_86 = arith.constant 0 : i32
        %dma_start3A_87 = tpu.memref_slice %arg11[%dma_start3A_85, %dma_start3A_86] : memref<10240x64xbf16, #tpu.memory_space<vmem_shared>> -> memref<10240x64xbf16, #tpu.memory_space<vmem_shared>>
        tpu.enqueue_indirect_dma source(%dma_start3A_87 : memref<10240x64xbf16, #tpu.memory_space<vmem_shared>>) target(%arg9 : memref<400x64xbf16, #tpu.memory_space<vmem>>) offsets(%dma_start3A_84 : memref<400xi32, #tpu.memory_space<vmem>>) semaphore(%arg13 : memref<!tpu.dma_semaphore, #tpu.memory_space<semaphore_mem>>)
      } else {
      }
    }
    %scan3A_27 = arith.constant 25 : i32
    %barrier3A_28 = arith.constant 0 : index
    tpu.barrier barrier_id(%barrier3A_28)
    %mul3A_29 = arith.constant 640 : i32
    %mul3A_30 = arith.muli %arg1, %mul3A_29 : i32
    %add3A_31 = arith.constant 0 : i32
    %add3A_32 = arith.addi %mul3A_30, %add3A_31 : i32
    "tpu.region"() ({
      %run_scoped3A = tpu.sem_alloc : memref<!tpu.dma_semaphore, #tpu.memory_space<semaphore_mem>>
      %dma_start3A_45 = arith.constant 0 : i32
      %dma_start3A_46 = arith.constant 0 : i32
      %dma_start3A_47 = tpu.memref_slice %arg8[%dma_start3A_45, %dma_start3A_46] : memref<400x64xbf16, #tpu.memory_space<vmem>> -> memref<400x64xbf16, #tpu.memory_space<vmem>>
      %dma_start3A_48 = arith.constant 0 : i32
      %dma_start3A_49 = tpu.memref_slice %arg10[%add3A_32, %dma_start3A_48] : memref<10240x64xbf16, #tpu.memory_space<vmem_shared>> -> memref<400x64xbf16, #tpu.memory_space<vmem_shared>>
      %dma_start3A_50 = arith.constant 0 : i32
      %dma_start3A_51 = arith.constant 0 : i32
      %dma_start3A_52 = tpu.memref_slice %arg8[%dma_start3A_50, %dma_start3A_51] : memref<400x64xbf16, #tpu.memory_space<vmem>> -> memref<400x64xbf16, #tpu.memory_space<vmem>>
      %dma_start3A_53 = arith.constant 0 : i32
      %dma_start3A_54 = tpu.memref_slice %arg10[%add3A_32, %dma_start3A_53] : memref<10240x64xbf16, #tpu.memory_space<vmem_shared>> -> memref<400x64xbf16, #tpu.memory_space<vmem_shared>>
      tpu.enqueue_dma source(%dma_start3A_54 : memref<400x64xbf16, #tpu.memory_space<vmem_shared>>) target(%dma_start3A_52 : memref<400x64xbf16, #tpu.memory_space<vmem>>) target_semaphore(%run_scoped3A : memref<!tpu.dma_semaphore, #tpu.memory_space<semaphore_mem>>)
      %dma_wait3A = arith.constant 0 : i32
      %dma_wait3A_55 = arith.constant 0 : i32
      %dma_wait3A_56 = tpu.memref_slice %arg8[%dma_wait3A, %dma_wait3A_55] : memref<400x64xbf16, #tpu.memory_space<vmem>> -> memref<400x64xbf16, #tpu.memory_space<vmem>>
      %dma_wait3A_57 = arith.constant 0 : i32
      %dma_wait3A_58 = tpu.memref_slice %arg10[%add3A_32, %dma_wait3A_57] : memref<10240x64xbf16, #tpu.memory_space<vmem_shared>> -> memref<400x64xbf16, #tpu.memory_space<vmem_shared>>
      %dma_wait3A_59 = arith.constant 0 : i32
      %dma_wait3A_60 = arith.constant 0 : i32
      %dma_wait3A_61 = tpu.memref_slice %arg8[%dma_wait3A_59, %dma_wait3A_60] : memref<400x64xbf16, #tpu.memory_space<vmem>> -> memref<400x64xbf16, #tpu.memory_space<vmem>>
      %dma_wait3A_62 = arith.constant 0 : i32
      %dma_wait3A_63 = tpu.memref_slice %arg10[%add3A_32, %dma_wait3A_62] : memref<10240x64xbf16, #tpu.memory_space<vmem_shared>> -> memref<400x64xbf16, #tpu.memory_space<vmem_shared>>
      tpu.wait_dma2 semaphore(%run_scoped3A : memref<!tpu.dma_semaphore, #tpu.memory_space<semaphore_mem>>) src(%dma_wait3A_63 : memref<400x64xbf16, #tpu.memory_space<vmem_shared>>) dst(%dma_wait3A_61 : memref<400x64xbf16, #tpu.memory_space<vmem>>)
      tpu.yield
    }) : () -> ()
    %mul3A_33 = arith.constant 640 : i32
    %mul3A_34 = arith.muli %arg1, %mul3A_33 : i32
    %add3A_35 = arith.constant 0 : i32
    %add3A_36 = arith.addi %mul3A_34, %add3A_35 : i32
    "tpu.region"() ({
      %run_scoped3A = tpu.sem_alloc : memref<!tpu.dma_semaphore, #tpu.memory_space<semaphore_mem>>
      %dma_start3A_45 = arith.constant 0 : i32
      %dma_start3A_46 = arith.constant 0 : i32
      %dma_start3A_47 = tpu.memref_slice %arg8[%dma_start3A_45, %dma_start3A_46] : memref<400x64xbf16, #tpu.memory_space<vmem>> -> memref<400x64xbf16, #tpu.memory_space<vmem>>
      %dma_start3A_48 = arith.constant 0 : i32
      %dma_start3A_49 = tpu.memref_slice %arg5[%arg0, %add3A_36, %dma_start3A_48] : memref<2x10240x64xbf16, #tpu.memory_space<hbm>> -> memref<1x400x64xbf16, #tpu.memory_space<hbm>>
      %dma_start3A_50 = tpu.memref_squeeze %dma_start3A_49 : memref<1x400x64xbf16, #tpu.memory_space<hbm>> -> memref<400x64xbf16, #tpu.memory_space<hbm>>
      %dma_start3A_51 = arith.constant 0 : i32
      %dma_start3A_52 = tpu.memref_slice %arg5[%arg0, %add3A_36, %dma_start3A_51] : memref<2x10240x64xbf16, #tpu.memory_space<hbm>> -> memref<1x400x64xbf16, #tpu.memory_space<hbm>>
      %dma_start3A_53 = tpu.memref_squeeze %dma_start3A_52 : memref<1x400x64xbf16, #tpu.memory_space<hbm>> -> memref<400x64xbf16, #tpu.memory_space<hbm>>
      %dma_start3A_54 = arith.constant 0 : i32
      %dma_start3A_55 = arith.constant 0 : i32
      %dma_start3A_56 = tpu.memref_slice %arg8[%dma_start3A_54, %dma_start3A_55] : memref<400x64xbf16, #tpu.memory_space<vmem>> -> memref<400x64xbf16, #tpu.memory_space<vmem>>
      tpu.enqueue_dma source(%dma_start3A_56 : memref<400x64xbf16, #tpu.memory_space<vmem>>) target(%dma_start3A_53 : memref<400x64xbf16, #tpu.memory_space<hbm>>) target_semaphore(%run_scoped3A : memref<!tpu.dma_semaphore, #tpu.memory_space<semaphore_mem>>)
      %dma_wait3A = arith.constant 0 : i32
      %dma_wait3A_57 = arith.constant 0 : i32
      %dma_wait3A_58 = tpu.memref_slice %arg8[%dma_wait3A, %dma_wait3A_57] : memref<400x64xbf16, #tpu.memory_space<vmem>> -> memref<400x64xbf16, #tpu.memory_space<vmem>>
      %dma_wait3A_59 = arith.constant 0 : i32
      %dma_wait3A_60 = tpu.memref_slice %arg5[%arg0, %add3A_36, %dma_wait3A_59] : memref<2x10240x64xbf16, #tpu.memory_space<hbm>> -> memref<1x400x64xbf16, #tpu.memory_space<hbm>>
      %dma_wait3A_61 = tpu.memref_squeeze %dma_wait3A_60 : memref<1x400x64xbf16, #tpu.memory_space<hbm>> -> memref<400x64xbf16, #tpu.memory_space<hbm>>
      %dma_wait3A_62 = arith.constant 0 : i32
      %dma_wait3A_63 = tpu.memref_slice %arg5[%arg0, %add3A_36, %dma_wait3A_62] : memref<2x10240x64xbf16, #tpu.memory_space<hbm>> -> memref<1x400x64xbf16, #tpu.memory_space<hbm>>
      %dma_wait3A_64 = tpu.memref_squeeze %dma_wait3A_63 : memref<1x400x64xbf16, #tpu.memory_space<hbm>> -> memref<400x64xbf16, #tpu.memory_space<hbm>>
      %dma_wait3A_65 = arith.constant 0 : i32
      %dma_wait3A_66 = arith.constant 0 : i32
      %dma_wait3A_67 = tpu.memref_slice %arg8[%dma_wait3A_65, %dma_wait3A_66] : memref<400x64xbf16, #tpu.memory_space<vmem>> -> memref<400x64xbf16, #tpu.memory_space<vmem>>
      tpu.wait_dma2 semaphore(%run_scoped3A : memref<!tpu.dma_semaphore, #tpu.memory_space<semaphore_mem>>) src(%dma_wait3A_67 : memref<400x64xbf16, #tpu.memory_space<vmem>>) dst(%dma_wait3A_64 : memref<400x64xbf16, #tpu.memory_space<hbm>>)
      tpu.yield
    }) : () -> ()
    %mul3A_37 = arith.constant 640 : i32
    %mul3A_38 = arith.muli %arg1, %mul3A_37 : i32
    %add3A_39 = arith.constant 400 : i32
    %add3A_40 = arith.addi %mul3A_38, %add3A_39 : i32
    "tpu.region"() ({
      %run_scoped3A = tpu.sem_alloc : memref<!tpu.dma_semaphore, #tpu.memory_space<semaphore_mem>>
      %dma_start3A_45 = arith.constant 0 : i32
      %dma_start3A_46 = arith.constant 0 : i32
      %dma_start3A_47 = tpu.memref_slice %arg8[%dma_start3A_45, %dma_start3A_46] : memref<400x64xbf16, #tpu.memory_space<vmem>> -> memref<240x64xbf16, #tpu.memory_space<vmem>>
      %dma_start3A_48 = arith.constant 0 : i32
      %dma_start3A_49 = tpu.memref_slice %arg10[%add3A_40, %dma_start3A_48] : memref<10240x64xbf16, #tpu.memory_space<vmem_shared>> -> memref<240x64xbf16, #tpu.memory_space<vmem_shared>>
      %dma_start3A_50 = arith.constant 0 : i32
      %dma_start3A_51 = arith.constant 0 : i32
      %dma_start3A_52 = tpu.memref_slice %arg8[%dma_start3A_50, %dma_start3A_51] : memref<400x64xbf16, #tpu.memory_space<vmem>> -> memref<240x64xbf16, #tpu.memory_space<vmem>>
      %dma_start3A_53 = arith.constant 0 : i32
      %dma_start3A_54 = tpu.memref_slice %arg10[%add3A_40, %dma_start3A_53] : memref<10240x64xbf16, #tpu.memory_space<vmem_shared>> -> memref<240x64xbf16, #tpu.memory_space<vmem_shared>>
      tpu.enqueue_dma source(%dma_start3A_54 : memref<240x64xbf16, #tpu.memory_space<vmem_shared>>) target(%dma_start3A_52 : memref<240x64xbf16, #tpu.memory_space<vmem>>) target_semaphore(%run_scoped3A : memref<!tpu.dma_semaphore, #tpu.memory_space<semaphore_mem>>)
      %dma_wait3A = arith.constant 0 : i32
      %dma_wait3A_55 = arith.constant 0 : i32
      %dma_wait3A_56 = tpu.memref_slice %arg8[%dma_wait3A, %dma_wait3A_55] : memref<400x64xbf16, #tpu.memory_space<vmem>> -> memref<240x64xbf16, #tpu.memory_space<vmem>>
      %dma_wait3A_57 = arith.constant 0 : i32
      %dma_wait3A_58 = tpu.memref_slice %arg10[%add3A_40, %dma_wait3A_57] : memref<10240x64xbf16, #tpu.memory_space<vmem_shared>> -> memref<240x64xbf16, #tpu.memory_space<vmem_shared>>
      %dma_wait3A_59 = arith.constant 0 : i32
      %dma_wait3A_60 = arith.constant 0 : i32
      %dma_wait3A_61 = tpu.memref_slice %arg8[%dma_wait3A_59, %dma_wait3A_60] : memref<400x64xbf16, #tpu.memory_space<vmem>> -> memref<240x64xbf16, #tpu.memory_space<vmem>>
      %dma_wait3A_62 = arith.constant 0 : i32
      %dma_wait3A_63 = tpu.memref_slice %arg10[%add3A_40, %dma_wait3A_62] : memref<10240x64xbf16, #tpu.memory_space<vmem_shared>> -> memref<240x64xbf16, #tpu.memory_space<vmem_shared>>
      tpu.wait_dma2 semaphore(%run_scoped3A : memref<!tpu.dma_semaphore, #tpu.memory_space<semaphore_mem>>) src(%dma_wait3A_63 : memref<240x64xbf16, #tpu.memory_space<vmem_shared>>) dst(%dma_wait3A_61 : memref<240x64xbf16, #tpu.memory_space<vmem>>)
      tpu.yield
    }) : () -> ()
    %mul3A_41 = arith.constant 640 : i32
    %mul3A_42 = arith.muli %arg1, %mul3A_41 : i32
    %add3A_43 = arith.constant 400 : i32
    %add3A_44 = arith.addi %mul3A_42, %add3A_43 : i32
    "tpu.region"() ({
      %run_scoped3A = tpu.sem_alloc : memref<!tpu.dma_semaphore, #tpu.memory_space<semaphore_mem>>
      %dma_start3A_45 = arith.constant 0 : i32
      %dma_start3A_46 = arith.constant 0 : i32
      %dma_start3A_47 = tpu.memref_slice %arg8[%dma_start3A_45, %dma_start3A_46] : memref<400x64xbf16, #tpu.memory_space<vmem>> -> memref<240x64xbf16, #tpu.memory_space<vmem>>
      %dma_start3A_48 = arith.constant 0 : i32
      %dma_start3A_49 = tpu.memref_slice %arg5[%arg0, %add3A_44, %dma_start3A_48] : memref<2x10240x64xbf16, #tpu.memory_space<hbm>> -> memref<1x240x64xbf16, #tpu.memory_space<hbm>>
      %dma_start3A_50 = tpu.memref_squeeze %dma_start3A_49 : memref<1x240x64xbf16, #tpu.memory_space<hbm>> -> memref<240x64xbf16, #tpu.memory_space<hbm>>
      %dma_start3A_51 = arith.constant 0 : i32
      %dma_start3A_52 = tpu.memref_slice %arg5[%arg0, %add3A_44, %dma_start3A_51] : memref<2x10240x64xbf16, #tpu.memory_space<hbm>> -> memref<1x240x64xbf16, #tpu.memory_space<hbm>>
      %dma_start3A_53 = tpu.memref_squeeze %dma_start3A_52 : memref<1x240x64xbf16, #tpu.memory_space<hbm>> -> memref<240x64xbf16, #tpu.memory_space<hbm>>
      %dma_start3A_54 = arith.constant 0 : i32
      %dma_start3A_55 = arith.constant 0 : i32
      %dma_start3A_56 = tpu.memref_slice %arg8[%dma_start3A_54, %dma_start3A_55] : memref<400x64xbf16, #tpu.memory_space<vmem>> -> memref<240x64xbf16, #tpu.memory_space<vmem>>
      tpu.enqueue_dma source(%dma_start3A_56 : memref<240x64xbf16, #tpu.memory_space<vmem>>) target(%dma_start3A_53 : memref<240x64xbf16, #tpu.memory_space<hbm>>) target_semaphore(%run_scoped3A : memref<!tpu.dma_semaphore, #tpu.memory_space<semaphore_mem>>)
      %dma_wait3A = arith.constant 0 : i32
      %dma_wait3A_57 = arith.constant 0 : i32
      %dma_wait3A_58 = tpu.memref_slice %arg8[%dma_wait3A, %dma_wait3A_57] : memref<400x64xbf16, #tpu.memory_space<vmem>> -> memref<240x64xbf16, #tpu.memory_space<vmem>>
      %dma_wait3A_59 = arith.constant 0 : i32
      %dma_wait3A_60 = tpu.memref_slice %arg5[%arg0, %add3A_44, %dma_wait3A_59] : memref<2x10240x64xbf16, #tpu.memory_space<hbm>> -> memref<1x240x64xbf16, #tpu.memory_space<hbm>>
      %dma_wait3A_61 = tpu.memref_squeeze %dma_wait3A_60 : memref<1x240x64xbf16, #tpu.memory_space<hbm>> -> memref<240x64xbf16, #tpu.memory_space<hbm>>
      %dma_wait3A_62 = arith.constant 0 : i32
      %dma_wait3A_63 = tpu.memref_slice %arg5[%arg0, %add3A_44, %dma_wait3A_62] : memref<2x10240x64xbf16, #tpu.memory_space<hbm>> -> memref<1x240x64xbf16, #tpu.memory_space<hbm>>
      %dma_wait3A_64 = tpu.memref_squeeze %dma_wait3A_63 : memref<1x240x64xbf16, #tpu.memory_space<hbm>> -> memref<240x64xbf16, #tpu.memory_space<hbm>>
      %dma_wait3A_65 = arith.constant 0 : i32
      %dma_wait3A_66 = arith.constant 0 : i32
      %dma_wait3A_67 = tpu.memref_slice %arg8[%dma_wait3A_65, %dma_wait3A_66] : memref<400x64xbf16, #tpu.memory_space<vmem>> -> memref<240x64xbf16, #tpu.memory_space<vmem>>
      tpu.wait_dma2 semaphore(%run_scoped3A : memref<!tpu.dma_semaphore, #tpu.memory_space<semaphore_mem>>) src(%dma_wait3A_67 : memref<240x64xbf16, #tpu.memory_space<vmem>>) dst(%dma_wait3A_64 : memref<240x64xbf16, #tpu.memory_space<hbm>>)
      tpu.yield
    }) : () -> ()
    return
  }
}

module attributes {stable_mosaic.version = 14 : i64} {
  func.func @_scale_body(%arg0: memref<2x10240x16xf32, #tpu.memory_space<vmem>>, %arg1: memref<10000x128xf32, #tpu.memory_space<vmem>>, %arg2: memref<2x10240x64xbf16, #tpu.memory_space<vmem>>) attributes {dimension_semantics = [], scalar_prefetch = 0 : i64, scratch_operands = 0 : i64, tpu.core_type = #tpu.core_type<tc>} {
    %get3A = arith.constant 0 : index
    %get3A_0 = arith.constant 0 : index
    %get3A_1 = vector.load %arg1[%get3A, %get3A_0] : memref<10000x128xf32, #tpu.memory_space<vmem>>, vector<10000x128xf32>
    %get3A_2 = arith.constant 0 : index
    %get3A_3 = arith.constant 0 : index
    %get3A_4 = arith.constant 0 : index
    %get3A_5 = vector.load %arg0[%get3A_2, %get3A_3, %get3A_4] : memref<2x10240x16xf32, #tpu.memory_space<vmem>>, vector<1x10240x16xf32>
    %get3A_6 = vector.shape_cast %get3A_5 : vector<1x10240x16xf32> to vector<10240x16xf32>
    %slice3A = vector.extract_strided_slice %get3A_6 {offsets = [0, 0], sizes = [10000, 1], strides = [1, 1]} : vector<10240x16xf32> to vector<10000x1xf32>
    %gt3A = arith.constant 0.000000e+00 : f32
    %gt3A_7 = vector.broadcast %gt3A : f32 to vector<10000x1xf32>
    %gt3A_8 = arith.cmpf ogt, %slice3A, %gt3A_7 : vector<10000x1xf32>
    %max3A = arith.constant 9.99999996E-13 : f32
    %max3A_9 = vector.broadcast %max3A : f32 to vector<10000x1xf32>
    %max3A_10 = arith.maximumf %slice3A, %max3A_9 : vector<10000x1xf32>
    %rsqrt3A = math.rsqrt %max3A_10 : vector<10000x1xf32>
    %jit3A = arith.constant 0.000000e+00 : f32
    %broadcast_in_dim3A = vector.broadcast %jit3A : f32 to vector<10000x1xf32>
    %select_n3A = arith.select %gt3A_8, %rsqrt3A, %broadcast_in_dim3A : vector<10000x1xi1>, vector<10000x1xf32>
    %mul3A = vector.broadcast %select_n3A : vector<10000x1xf32> to vector<10000x128xf32>
    %mul3A_11 = arith.mulf %get3A_1, %mul3A : vector<10000x128xf32>
    %convert_element_type3A = arith.truncf %mul3A_11 : vector<10000x128xf32> to vector<10000x128xbf16>
    %slice3A_12 = vector.extract_strided_slice %convert_element_type3A {offsets = [0, 0], sizes = [10000, 64], strides = [1, 1]} : vector<10000x128xbf16> to vector<10000x64xbf16>
    %swap3A = arith.constant 0 : index
    %swap3A_13 = arith.constant 0 : index
    %swap3A_14 = arith.constant 0 : index
    %swap3A_15 = vector.load %arg2[%swap3A, %swap3A_13, %swap3A_14] : memref<2x10240x64xbf16, #tpu.memory_space<vmem>>, vector<1x10000x64xbf16>
    %swap3A_16 = vector.shape_cast %swap3A_15 : vector<1x10000x64xbf16> to vector<10000x64xbf16>
    %swap3A_17 = vector.shape_cast %slice3A_12 : vector<10000x64xbf16> to vector<1x10000x64xbf16>
    tpu.vector_store %arg2[%swap3A, %swap3A_13, %swap3A_14], %swap3A_17 {strides = array<i32>} : memref<2x10240x64xbf16, #tpu.memory_space<vmem>>, vector<1x10000x64xbf16>,
    %slice3A_18 = vector.extract_strided_slice %convert_element_type3A {offsets = [0, 64], sizes = [10000, 64], strides = [1, 1]} : vector<10000x128xbf16> to vector<10000x64xbf16>
    %swap3A_19 = arith.constant 1 : index
    %swap3A_20 = arith.constant 0 : index
    %swap3A_21 = arith.constant 0 : index
    %swap3A_22 = vector.load %arg2[%swap3A_19, %swap3A_20, %swap3A_21] : memref<2x10240x64xbf16, #tpu.memory_space<vmem>>, vector<1x10000x64xbf16>
    %swap3A_23 = vector.shape_cast %swap3A_22 : vector<1x10000x64xbf16> to vector<10000x64xbf16>
    %swap3A_24 = vector.shape_cast %slice3A_18 : vector<10000x64xbf16> to vector<1x10000x64xbf16>
    tpu.vector_store %arg2[%swap3A_19, %swap3A_20, %swap3A_21], %swap3A_24 {strides = array<i32>} : memref<2x10240x64xbf16, #tpu.memory_space<vmem>>, vector<1x10000x64xbf16>,
    %broadcast_in_dim3A_25 = arith.constant 0.000000e+00 : bf16
    %broadcast_in_dim3A_26 = vector.broadcast %broadcast_in_dim3A_25 : bf16 to vector<240x64xbf16>
    %swap3A_27 = arith.constant 0 : index
    %swap3A_28 = arith.constant 10000 : index
    %swap3A_29 = arith.constant 0 : index
    %swap3A_30 = vector.load %arg2[%swap3A_27, %swap3A_28, %swap3A_29] : memref<2x10240x64xbf16, #tpu.memory_space<vmem>>, vector<1x240x64xbf16>
    %swap3A_31 = vector.shape_cast %swap3A_30 : vector<1x240x64xbf16> to vector<240x64xbf16>
    %swap3A_32 = vector.shape_cast %broadcast_in_dim3A_26 : vector<240x64xbf16> to vector<1x240x64xbf16>
    tpu.vector_store %arg2[%swap3A_27, %swap3A_28, %swap3A_29], %swap3A_32 {strides = array<i32>} : memref<2x10240x64xbf16, #tpu.memory_space<vmem>>, vector<1x240x64xbf16>,
    %swap3A_33 = arith.constant 1 : index
    %swap3A_34 = arith.constant 10000 : index
    %swap3A_35 = arith.constant 0 : index
    %swap3A_36 = vector.load %arg2[%swap3A_33, %swap3A_34, %swap3A_35] : memref<2x10240x64xbf16, #tpu.memory_space<vmem>>, vector<1x240x64xbf16>
    %swap3A_37 = vector.shape_cast %swap3A_36 : vector<1x240x64xbf16> to vector<240x64xbf16>
    %swap3A_38 = vector.shape_cast %broadcast_in_dim3A_26 : vector<240x64xbf16> to vector<1x240x64xbf16>
    tpu.vector_store %arg2[%swap3A_33, %swap3A_34, %swap3A_35], %swap3A_38 {strides = array<i32>} : memref<2x10240x64xbf16, #tpu.memory_space<vmem>>, vector<1x240x64xbf16>,
    return
  }
}

module attributes {stable_mosaic.version = 14 : i64} {
  func.func @_post_body(%arg0: memref<2x10240x64xbf16, #tpu.memory_space<vmem>>, %arg1: memref<10000x128xf32, #tpu.memory_space<vmem>>, %arg2: memref<2x10240x16xf32, #tpu.memory_space<vmem>>, %arg3: memref<128x128xf32, #tpu.memory_space<vmem>>, %arg4: memref<1x128xf32, #tpu.memory_space<vmem>>, %arg5: memref<128x128xf32, #tpu.memory_space<vmem>>, %arg6: memref<1x128xf32, #tpu.memory_space<vmem>>, %arg7: memref<1x128xf32, #tpu.memory_space<vmem>>, %arg8: memref<1x128xf32, #tpu.memory_space<vmem>>, %arg9: memref<10000x128xf32, #tpu.memory_space<vmem>>, %arg10: memref<2x10240x64xbf16, #tpu.memory_space<vmem>>) attributes {dimension_semantics = [], scalar_prefetch = 0 : i64, scratch_operands = 0 : i64, tpu.core_type = #tpu.core_type<tc>} {
    %get3A = arith.constant 0 : index
    %get3A_0 = arith.constant 0 : index
    %get3A_1 = arith.constant 0 : index
    %get3A_2 = vector.load %arg0[%get3A, %get3A_0, %get3A_1] : memref<2x10240x64xbf16, #tpu.memory_space<vmem>>, vector<1x10240x64xbf16>
    %get3A_3 = vector.shape_cast %get3A_2 : vector<1x10240x64xbf16> to vector<10240x64xbf16>
    %slice3A = vector.extract_strided_slice %get3A_3 {offsets = [0, 0], sizes = [10000, 64], strides = [1, 1]} : vector<10240x64xbf16> to vector<10000x64xbf16>
    %get3A_4 = arith.constant 1 : index
    %get3A_5 = arith.constant 0 : index
    %get3A_6 = arith.constant 0 : index
    %get3A_7 = vector.load %arg0[%get3A_4, %get3A_5, %get3A_6] : memref<2x10240x64xbf16, #tpu.memory_space<vmem>>, vector<1x10240x64xbf16>
    %get3A_8 = vector.shape_cast %get3A_7 : vector<1x10240x64xbf16> to vector<10240x64xbf16>
    %slice3A_9 = vector.extract_strided_slice %get3A_8 {offsets = [0, 0], sizes = [10000, 64], strides = [1, 1]} : vector<10240x64xbf16> to vector<10000x64xbf16>
    %concatenate3A = tpu.concatenate %slice3A, %slice3A_9 in 1 : vector<10000x64xbf16>, vector<10000x64xbf16> -> vector<10000x128xbf16>
    %convert_element_type3A = arith.extf %concatenate3A : vector<10000x128xbf16> to vector<10000x128xf32>
    %get3A_10 = arith.constant 0 : index
    %get3A_11 = arith.constant 0 : index
    %get3A_12 = vector.load %arg1[%get3A_10, %get3A_11] : memref<10000x128xf32, #tpu.memory_space<vmem>>, vector<10000x128xf32>
    %get3A_13 = arith.constant 1 : index
    %get3A_14 = arith.constant 0 : index
    %get3A_15 = arith.constant 0 : index
    %get3A_16 = vector.load %arg2[%get3A_13, %get3A_14, %get3A_15] : memref<2x10240x16xf32, #tpu.memory_space<vmem>>, vector<1x10240x16xf32>
    %get3A_17 = vector.shape_cast %get3A_16 : vector<1x10240x16xf32> to vector<10240x16xf32>
    %slice3A_18 = vector.extract_strided_slice %get3A_17 {offsets = [0, 0], sizes = [10000, 1], strides = [1, 1]} : vector<10240x16xf32> to vector<10000x1xf32>
    %gt3A = arith.constant 0.000000e+00 : f32
    %gt3A_19 = vector.broadcast %gt3A : f32 to vector<10000x1xf32>
    %gt3A_20 = arith.cmpf ogt, %slice3A_18, %gt3A_19 : vector<10000x1xf32>
    %max3A = arith.constant 9.99999996E-13 : f32
    %max3A_21 = vector.broadcast %max3A : f32 to vector<10000x1xf32>
    %max3A_22 = arith.maximumf %slice3A_18, %max3A_21 : vector<10000x1xf32>
    %rsqrt3A = math.rsqrt %max3A_22 : vector<10000x1xf32>
    %jit3A = arith.constant 0.000000e+00 : f32
    %broadcast_in_dim3A = vector.broadcast %jit3A : f32 to vector<10000x1xf32>
    %select_n3A = arith.select %gt3A_20, %rsqrt3A, %broadcast_in_dim3A : vector<10000x1xi1>, vector<10000x1xf32>
    %get3A_23 = arith.constant 0 : index
    %get3A_24 = arith.constant 0 : index
    %get3A_25 = vector.load %arg3[%get3A_23, %get3A_24] : memref<128x128xf32, #tpu.memory_space<vmem>>, vector<128x128xf32>
    %dot_general3A = arith.constant dense<0.000000e+00> : vector<10000x128xf32>
    %dot_general3A_26 = tpu.matmul %convert_element_type3A, %get3A_25, %dot_general3A {dimension_numbers = #tpu.dot_dimension_numbers<[1], [0], [0], [1], [0, 0, 1, 1], [], []>, transpose_lhs_hint = false} : vector<10000x128xf32>, vector<128x128xf32>, vector<10000x128xf32> -> vector<10000x128xf32>
    %mul3A = vector.broadcast %select_n3A : vector<10000x1xf32> to vector<10000x128xf32>
    %mul3A_27 = arith.mulf %dot_general3A_26, %mul3A : vector<10000x128xf32>
    %get3A_28 = arith.constant 0 : index
    %get3A_29 = arith.constant 0 : index
    %get3A_30 = vector.load %arg4[%get3A_28, %get3A_29] : memref<1x128xf32, #tpu.memory_space<vmem>>, vector<1x128xf32>
    %add3A = vector.broadcast %get3A_30 : vector<1x128xf32> to vector<10000x128xf32>
    %add3A_31 = arith.addf %mul3A_27, %add3A : vector<10000x128xf32>
    %get3A_32 = arith.constant 0 : index
    %get3A_33 = arith.constant 0 : index
    %get3A_34 = vector.load %arg5[%get3A_32, %get3A_33] : memref<128x128xf32, #tpu.memory_space<vmem>>, vector<128x128xf32>
    %dot_general3A_35 = arith.constant dense<0.000000e+00> : vector<10000x128xf32>
    %dot_general3A_36 = tpu.matmul %get3A_12, %get3A_34, %dot_general3A_35 {dimension_numbers = #tpu.dot_dimension_numbers<[1], [0], [0], [1], [0, 0, 1, 1], [], []>, transpose_lhs_hint = false} : vector<10000x128xf32>, vector<128x128xf32>, vector<10000x128xf32> -> vector<10000x128xf32>
    %get3A_37 = arith.constant 0 : index
    %get3A_38 = arith.constant 0 : index
    %get3A_39 = vector.load %arg6[%get3A_37, %get3A_38] : memref<1x128xf32, #tpu.memory_space<vmem>>, vector<1x128xf32>
    %add3A_40 = vector.broadcast %get3A_39 : vector<1x128xf32> to vector<10000x128xf32>
    %add3A_41 = arith.addf %dot_general3A_36, %add3A_40 : vector<10000x128xf32>
    %add3A_42 = arith.addf %add3A_31, %get3A_12 : vector<10000x128xf32>
    %add3A_43 = arith.addf %add3A_42, %add3A_41 : vector<10000x128xf32>
    %reduce_sum3A = arith.constant dense<0.000000e+00> : vector<128xf32>
    %reduce_sum3A_44 = vector.multi_reduction <add>, %add3A_43, %reduce_sum3A [0] : vector<10000x128xf32> to vector<128xf32>
    %broadcast_in_dim3A_45 = vector.shape_cast %reduce_sum3A_44 : vector<128xf32> to vector<1x128xf32>
    %div3A = arith.constant 1.000000e+04 : f32
    %div3A_46 = vector.broadcast %div3A : f32 to vector<1x128xf32>
    %div3A_47 = arith.divf %broadcast_in_dim3A_45, %div3A_46 : vector<1x128xf32>
    %sub3A = vector.broadcast %div3A_47 : vector<1x128xf32> to vector<10000x128xf32>
    %sub3A_48 = arith.subf %add3A_43, %sub3A : vector<10000x128xf32>
    %mul3A_49 = arith.mulf %sub3A_48, %sub3A_48 : vector<10000x128xf32>
    %reduce_sum3A_50 = arith.constant dense<0.000000e+00> : vector<128xf32>
    %reduce_sum3A_51 = vector.multi_reduction <add>, %mul3A_49, %reduce_sum3A_50 [0] : vector<10000x128xf32> to vector<128xf32>
    %broadcast_in_dim3A_52 = vector.shape_cast %reduce_sum3A_51 : vector<128xf32> to vector<1x128xf32>
    %div3A_53 = arith.constant 1.000000e+04 : f32
    %div3A_54 = vector.broadcast %div3A_53 : f32 to vector<1x128xf32>
    %div3A_55 = arith.divf %broadcast_in_dim3A_52, %div3A_54 : vector<1x128xf32>
    %add3A_56 = arith.constant 9.99999974E-6 : f32
    %add3A_57 = vector.broadcast %add3A_56 : f32 to vector<1x128xf32>
    %add3A_58 = arith.addf %div3A_55, %add3A_57 : vector<1x128xf32>
    %rsqrt3A_59 = math.rsqrt %add3A_58 : vector<1x128xf32>
    %mul3A_60 = vector.broadcast %rsqrt3A_59 : vector<1x128xf32> to vector<10000x128xf32>
    %mul3A_61 = arith.mulf %sub3A_48, %mul3A_60 : vector<10000x128xf32>
    %get3A_62 = arith.constant 0 : index
    %get3A_63 = arith.constant 0 : index
    %get3A_64 = vector.load %arg7[%get3A_62, %get3A_63] : memref<1x128xf32, #tpu.memory_space<vmem>>, vector<1x128xf32>
    %mul3A_65 = vector.broadcast %get3A_64 : vector<1x128xf32> to vector<10000x128xf32>
    %mul3A_66 = arith.mulf %mul3A_61, %mul3A_65 : vector<10000x128xf32>
    %get3A_67 = arith.constant 0 : index
    %get3A_68 = arith.constant 0 : index
    %get3A_69 = vector.load %arg8[%get3A_67, %get3A_68] : memref<1x128xf32, #tpu.memory_space<vmem>>, vector<1x128xf32>
    %add3A_70 = vector.broadcast %get3A_69 : vector<1x128xf32> to vector<10000x128xf32>
    %add3A_71 = arith.addf %mul3A_66, %add3A_70 : vector<10000x128xf32>
    %max3A_72 = arith.constant 0.000000e+00 : f32
    %max3A_73 = vector.broadcast %max3A_72 : f32 to vector<10000x128xf32>
    %max3A_74 = arith.maximumf %add3A_71, %max3A_73 : vector<10000x128xf32>
    %swap3A = arith.constant 0 : index
    %swap3A_75 = arith.constant 0 : index
    %swap3A_76 = vector.load %arg9[%swap3A, %swap3A_75] : memref<10000x128xf32, #tpu.memory_space<vmem>>, vector<10000x128xf32>
    tpu.vector_store %arg9[%swap3A, %swap3A_75], %max3A_74 {strides = array<i32>} : memref<10000x128xf32, #tpu.memory_space<vmem>>, vector<10000x128xf32>,
    %get3A_77 = arith.constant 0 : index
    %get3A_78 = arith.constant 0 : index
    %get3A_79 = arith.constant 0 : index
    %get3A_80 = vector.load %arg2[%get3A_77, %get3A_78, %get3A_79] : memref<2x10240x16xf32, #tpu.memory_space<vmem>>, vector<1x10240x16xf32>
    %get3A_81 = vector.shape_cast %get3A_80 : vector<1x10240x16xf32> to vector<10240x16xf32>
    %slice3A_82 = vector.extract_strided_slice %get3A_81 {offsets = [0, 0], sizes = [10000, 1], strides = [1, 1]} : vector<10240x16xf32> to vector<10000x1xf32>
    %gt3A_83 = arith.constant 0.000000e+00 : f32
    %gt3A_84 = vector.broadcast %gt3A_83 : f32 to vector<10000x1xf32>
    %gt3A_85 = arith.cmpf ogt, %slice3A_82, %gt3A_84 : vector<10000x1xf32>
    %max3A_86 = arith.constant 9.99999996E-13 : f32
    %max3A_87 = vector.broadcast %max3A_86 : f32 to vector<10000x1xf32>
    %max3A_88 = arith.maximumf %slice3A_82, %max3A_87 : vector<10000x1xf32>
    %rsqrt3A_89 = math.rsqrt %max3A_88 : vector<10000x1xf32>
    %jit3A_90 = arith.constant 0.000000e+00 : f32
    %broadcast_in_dim3A_91 = vector.broadcast %jit3A_90 : f32 to vector<10000x1xf32>
    %select_n3A_92 = arith.select %gt3A_85, %rsqrt3A_89, %broadcast_in_dim3A_91 : vector<10000x1xi1>, vector<10000x1xf32>
    %mul3A_93 = vector.broadcast %select_n3A_92 : vector<10000x1xf32> to vector<10000x128xf32>
    %mul3A_94 = arith.mulf %max3A_74, %mul3A_93 : vector<10000x128xf32>
    %convert_element_type3A_95 = arith.truncf %mul3A_94 : vector<10000x128xf32> to vector<10000x128xbf16>
    %slice3A_96 = vector.extract_strided_slice %convert_element_type3A_95 {offsets = [0, 0], sizes = [10000, 64], strides = [1, 1]} : vector<10000x128xbf16> to vector<10000x64xbf16>
    %swap3A_97 = arith.constant 0 : index
    %swap3A_98 = arith.constant 0 : index
    %swap3A_99 = arith.constant 0 : index
    %swap3A_100 = vector.load %arg10[%swap3A_97, %swap3A_98, %swap3A_99] : memref<2x10240x64xbf16, #tpu.memory_space<vmem>>, vector<1x10000x64xbf16>
    %swap3A_101 = vector.shape_cast %swap3A_100 : vector<1x10000x64xbf16> to vector<10000x64xbf16>
    %swap3A_102 = vector.shape_cast %slice3A_96 : vector<10000x64xbf16> to vector<1x10000x64xbf16>
    tpu.vector_store %arg10[%swap3A_97, %swap3A_98, %swap3A_99], %swap3A_102 {strides = array<i32>} : memref<2x10240x64xbf16, #tpu.memory_space<vmem>>, vector<1x10000x64xbf16>,
    %slice3A_103 = vector.extract_strided_slice %convert_element_type3A_95 {offsets = [0, 64], sizes = [10000, 64], strides = [1, 1]} : vector<10000x128xbf16> to vector<10000x64xbf16>
    %swap3A_104 = arith.constant 1 : index
    %swap3A_105 = arith.constant 0 : index
    %swap3A_106 = arith.constant 0 : index
    %swap3A_107 = vector.load %arg10[%swap3A_104, %swap3A_105, %swap3A_106] : memref<2x10240x64xbf16, #tpu.memory_space<vmem>>, vector<1x10000x64xbf16>
    %swap3A_108 = vector.shape_cast %swap3A_107 : vector<1x10000x64xbf16> to vector<10000x64xbf16>
    %swap3A_109 = vector.shape_cast %slice3A_103 : vector<10000x64xbf16> to vector<1x10000x64xbf16>
    tpu.vector_store %arg10[%swap3A_104, %swap3A_105, %swap3A_106], %swap3A_109 {strides = array<i32>} : memref<2x10240x64xbf16, #tpu.memory_space<vmem>>, vector<1x10000x64xbf16>,
    %broadcast_in_dim3A_110 = arith.constant 0.000000e+00 : bf16
    %broadcast_in_dim3A_111 = vector.broadcast %broadcast_in_dim3A_110 : bf16 to vector<240x64xbf16>
    %swap3A_112 = arith.constant 0 : index
    %swap3A_113 = arith.constant 10000 : index
    %swap3A_114 = arith.constant 0 : index
    %swap3A_115 = vector.load %arg10[%swap3A_112, %swap3A_113, %swap3A_114] : memref<2x10240x64xbf16, #tpu.memory_space<vmem>>, vector<1x240x64xbf16>
    %swap3A_116 = vector.shape_cast %swap3A_115 : vector<1x240x64xbf16> to vector<240x64xbf16>
    %swap3A_117 = vector.shape_cast %broadcast_in_dim3A_111 : vector<240x64xbf16> to vector<1x240x64xbf16>
    tpu.vector_store %arg10[%swap3A_112, %swap3A_113, %swap3A_114], %swap3A_117 {strides = array<i32>} : memref<2x10240x64xbf16, #tpu.memory_space<vmem>>, vector<1x240x64xbf16>,
    %swap3A_118 = arith.constant 1 : index
    %swap3A_119 = arith.constant 10000 : index
    %swap3A_120 = arith.constant 0 : index
    %swap3A_121 = vector.load %arg10[%swap3A_118, %swap3A_119, %swap3A_120] : memref<2x10240x64xbf16, #tpu.memory_space<vmem>>, vector<1x240x64xbf16>
    %swap3A_122 = vector.shape_cast %swap3A_121 : vector<1x240x64xbf16> to vector<240x64xbf16>
    %swap3A_123 = vector.shape_cast %broadcast_in_dim3A_111 : vector<240x64xbf16> to vector<1x240x64xbf16>
    tpu.vector_store %arg10[%swap3A_118, %swap3A_119, %swap3A_120], %swap3A_123 {strides = array<i32>} : memref<2x10240x64xbf16, #tpu.memory_space<vmem>>, vector<1x240x64xbf16>,
    return
  }
}

module attributes {stable_mosaic.version = 14 : i64} {
  func.func @_post_body(%arg0: memref<2x10240x64xbf16, #tpu.memory_space<vmem>>, %arg1: memref<10000x128xf32, #tpu.memory_space<vmem>>, %arg2: memref<2x10240x16xf32, #tpu.memory_space<vmem>>, %arg3: memref<128x128xf32, #tpu.memory_space<vmem>>, %arg4: memref<1x128xf32, #tpu.memory_space<vmem>>, %arg5: memref<128x128xf32, #tpu.memory_space<vmem>>, %arg6: memref<1x128xf32, #tpu.memory_space<vmem>>, %arg7: memref<1x128xf32, #tpu.memory_space<vmem>>, %arg8: memref<1x128xf32, #tpu.memory_space<vmem>>, %arg9: memref<10000x128xf32, #tpu.memory_space<vmem>>) attributes {dimension_semantics = [], scalar_prefetch = 0 : i64, scratch_operands = 0 : i64, tpu.core_type = #tpu.core_type<tc>} {
    %get3A = arith.constant 0 : index
    %get3A_0 = arith.constant 0 : index
    %get3A_1 = arith.constant 0 : index
    %get3A_2 = vector.load %arg0[%get3A, %get3A_0, %get3A_1] : memref<2x10240x64xbf16, #tpu.memory_space<vmem>>, vector<1x10240x64xbf16>
    %get3A_3 = vector.shape_cast %get3A_2 : vector<1x10240x64xbf16> to vector<10240x64xbf16>
    %slice3A = vector.extract_strided_slice %get3A_3 {offsets = [0, 0], sizes = [10000, 64], strides = [1, 1]} : vector<10240x64xbf16> to vector<10000x64xbf16>
    %get3A_4 = arith.constant 1 : index
    %get3A_5 = arith.constant 0 : index
    %get3A_6 = arith.constant 0 : index
    %get3A_7 = vector.load %arg0[%get3A_4, %get3A_5, %get3A_6] : memref<2x10240x64xbf16, #tpu.memory_space<vmem>>, vector<1x10240x64xbf16>
    %get3A_8 = vector.shape_cast %get3A_7 : vector<1x10240x64xbf16> to vector<10240x64xbf16>
    %slice3A_9 = vector.extract_strided_slice %get3A_8 {offsets = [0, 0], sizes = [10000, 64], strides = [1, 1]} : vector<10240x64xbf16> to vector<10000x64xbf16>
    %concatenate3A = tpu.concatenate %slice3A, %slice3A_9 in 1 : vector<10000x64xbf16>, vector<10000x64xbf16> -> vector<10000x128xbf16>
    %convert_element_type3A = arith.extf %concatenate3A : vector<10000x128xbf16> to vector<10000x128xf32>
    %get3A_10 = arith.constant 0 : index
    %get3A_11 = arith.constant 0 : index
    %get3A_12 = vector.load %arg1[%get3A_10, %get3A_11] : memref<10000x128xf32, #tpu.memory_space<vmem>>, vector<10000x128xf32>
    %get3A_13 = arith.constant 1 : index
    %get3A_14 = arith.constant 0 : index
    %get3A_15 = arith.constant 0 : index
    %get3A_16 = vector.load %arg2[%get3A_13, %get3A_14, %get3A_15] : memref<2x10240x16xf32, #tpu.memory_space<vmem>>, vector<1x10240x16xf32>
    %get3A_17 = vector.shape_cast %get3A_16 : vector<1x10240x16xf32> to vector<10240x16xf32>
    %slice3A_18 = vector.extract_strided_slice %get3A_17 {offsets = [0, 0], sizes = [10000, 1], strides = [1, 1]} : vector<10240x16xf32> to vector<10000x1xf32>
    %gt3A = arith.constant 0.000000e+00 : f32
    %gt3A_19 = vector.broadcast %gt3A : f32 to vector<10000x1xf32>
    %gt3A_20 = arith.cmpf ogt, %slice3A_18, %gt3A_19 : vector<10000x1xf32>
    %max3A = arith.constant 9.99999996E-13 : f32
    %max3A_21 = vector.broadcast %max3A : f32 to vector<10000x1xf32>
    %max3A_22 = arith.maximumf %slice3A_18, %max3A_21 : vector<10000x1xf32>
    %rsqrt3A = math.rsqrt %max3A_22 : vector<10000x1xf32>
    %jit3A = arith.constant 0.000000e+00 : f32
    %broadcast_in_dim3A = vector.broadcast %jit3A : f32 to vector<10000x1xf32>
    %select_n3A = arith.select %gt3A_20, %rsqrt3A, %broadcast_in_dim3A : vector<10000x1xi1>, vector<10000x1xf32>
    %get3A_23 = arith.constant 0 : index
    %get3A_24 = arith.constant 0 : index
    %get3A_25 = vector.load %arg3[%get3A_23, %get3A_24] : memref<128x128xf32, #tpu.memory_space<vmem>>, vector<128x128xf32>
    %dot_general3A = arith.constant dense<0.000000e+00> : vector<10000x128xf32>
    %dot_general3A_26 = tpu.matmul %convert_element_type3A, %get3A_25, %dot_general3A {dimension_numbers = #tpu.dot_dimension_numbers<[1], [0], [0], [1], [0, 0, 1, 1], [], []>, transpose_lhs_hint = false} : vector<10000x128xf32>, vector<128x128xf32>, vector<10000x128xf32> -> vector<10000x128xf32>
    %mul3A = vector.broadcast %select_n3A : vector<10000x1xf32> to vector<10000x128xf32>
    %mul3A_27 = arith.mulf %dot_general3A_26, %mul3A : vector<10000x128xf32>
    %get3A_28 = arith.constant 0 : index
    %get3A_29 = arith.constant 0 : index
    %get3A_30 = vector.load %arg4[%get3A_28, %get3A_29] : memref<1x128xf32, #tpu.memory_space<vmem>>, vector<1x128xf32>
    %add3A = vector.broadcast %get3A_30 : vector<1x128xf32> to vector<10000x128xf32>
    %add3A_31 = arith.addf %mul3A_27, %add3A : vector<10000x128xf32>
    %get3A_32 = arith.constant 0 : index
    %get3A_33 = arith.constant 0 : index
    %get3A_34 = vector.load %arg5[%get3A_32, %get3A_33] : memref<128x128xf32, #tpu.memory_space<vmem>>, vector<128x128xf32>
    %dot_general3A_35 = arith.constant dense<0.000000e+00> : vector<10000x128xf32>
    %dot_general3A_36 = tpu.matmul %get3A_12, %get3A_34, %dot_general3A_35 {dimension_numbers = #tpu.dot_dimension_numbers<[1], [0], [0], [1], [0, 0, 1, 1], [], []>, transpose_lhs_hint = false} : vector<10000x128xf32>, vector<128x128xf32>, vector<10000x128xf32> -> vector<10000x128xf32>
    %get3A_37 = arith.constant 0 : index
    %get3A_38 = arith.constant 0 : index
    %get3A_39 = vector.load %arg6[%get3A_37, %get3A_38] : memref<1x128xf32, #tpu.memory_space<vmem>>, vector<1x128xf32>
    %add3A_40 = vector.broadcast %get3A_39 : vector<1x128xf32> to vector<10000x128xf32>
    %add3A_41 = arith.addf %dot_general3A_36, %add3A_40 : vector<10000x128xf32>
    %add3A_42 = arith.addf %add3A_31, %get3A_12 : vector<10000x128xf32>
    %add3A_43 = arith.addf %add3A_42, %add3A_41 : vector<10000x128xf32>
    %reduce_sum3A = arith.constant dense<0.000000e+00> : vector<128xf32>
    %reduce_sum3A_44 = vector.multi_reduction <add>, %add3A_43, %reduce_sum3A [0] : vector<10000x128xf32> to vector<128xf32>
    %broadcast_in_dim3A_45 = vector.shape_cast %reduce_sum3A_44 : vector<128xf32> to vector<1x128xf32>
    %div3A = arith.constant 1.000000e+04 : f32
    %div3A_46 = vector.broadcast %div3A : f32 to vector<1x128xf32>
    %div3A_47 = arith.divf %broadcast_in_dim3A_45, %div3A_46 : vector<1x128xf32>
    %sub3A = vector.broadcast %div3A_47 : vector<1x128xf32> to vector<10000x128xf32>
    %sub3A_48 = arith.subf %add3A_43, %sub3A : vector<10000x128xf32>
    %mul3A_49 = arith.mulf %sub3A_48, %sub3A_48 : vector<10000x128xf32>
    %reduce_sum3A_50 = arith.constant dense<0.000000e+00> : vector<128xf32>
    %reduce_sum3A_51 = vector.multi_reduction <add>, %mul3A_49, %reduce_sum3A_50 [0] : vector<10000x128xf32> to vector<128xf32>
    %broadcast_in_dim3A_52 = vector.shape_cast %reduce_sum3A_51 : vector<128xf32> to vector<1x128xf32>
    %div3A_53 = arith.constant 1.000000e+04 : f32
    %div3A_54 = vector.broadcast %div3A_53 : f32 to vector<1x128xf32>
    %div3A_55 = arith.divf %broadcast_in_dim3A_52, %div3A_54 : vector<1x128xf32>
    %add3A_56 = arith.constant 9.99999974E-6 : f32
    %add3A_57 = vector.broadcast %add3A_56 : f32 to vector<1x128xf32>
    %add3A_58 = arith.addf %div3A_55, %add3A_57 : vector<1x128xf32>
    %rsqrt3A_59 = math.rsqrt %add3A_58 : vector<1x128xf32>
    %mul3A_60 = vector.broadcast %rsqrt3A_59 : vector<1x128xf32> to vector<10000x128xf32>
    %mul3A_61 = arith.mulf %sub3A_48, %mul3A_60 : vector<10000x128xf32>
    %get3A_62 = arith.constant 0 : index
    %get3A_63 = arith.constant 0 : index
    %get3A_64 = vector.load %arg7[%get3A_62, %get3A_63] : memref<1x128xf32, #tpu.memory_space<vmem>>, vector<1x128xf32>
    %mul3A_65 = vector.broadcast %get3A_64 : vector<1x128xf32> to vector<10000x128xf32>
    %mul3A_66 = arith.mulf %mul3A_61, %mul3A_65 : vector<10000x128xf32>
    %get3A_67 = arith.constant 0 : index
    %get3A_68 = arith.constant 0 : index
    %get3A_69 = vector.load %arg8[%get3A_67, %get3A_68] : memref<1x128xf32, #tpu.memory_space<vmem>>, vector<1x128xf32>
    %add3A_70 = vector.broadcast %get3A_69 : vector<1x128xf32> to vector<10000x128xf32>
    %add3A_71 = arith.addf %mul3A_66, %add3A_70 : vector<10000x128xf32>
    %max3A_72 = arith.constant 0.000000e+00 : f32
    %max3A_73 = vector.broadcast %max3A_72 : f32 to vector<10000x128xf32>
    %max3A_74 = arith.maximumf %add3A_71, %max3A_73 : vector<10000x128xf32>
    %swap3A = arith.constant 0 : index
    %swap3A_75 = arith.constant 0 : index
    %swap3A_76 = vector.load %arg9[%swap3A, %swap3A_75] : memref<10000x128xf32, #tpu.memory_space<vmem>>, vector<10000x128xf32>
    tpu.vector_store %arg9[%swap3A, %swap3A_75], %max3A_74 {strides = array<i32>} : memref<10000x128xf32, #tpu.memory_space<vmem>>, vector<10000x128xf32>,
    return
  }
}

</mosaic_0001>

<sc_bundles>
// kernel: kernel.11.cloned.1.call-start
scs
__scs_entry_jumppad:
0x0: {  	(pc) =	sbr.rel $0x88, $3  }
0x1: {  	(tag) =	ssettag $0x0;
	lr =	simm.s32 $0x1  }
0x2: {  	[smem:$0x3F99] =	sst lr;
	_ =	strace $0xD0000000  }
0x3: {  	_ = 	snop  }
0x4: {  	_ = 	snop  }
0x5: {  	_ = 	snop  }
0x6: {  	_ = 	snop  }
0x7: {  	_ = 	snop  }
__scs_overlays_trampoline_lowered:
0x8: {  	[smem:$0x3FA8] =	sst s0  }
0x9: {  	[smem:$0x3FA9] =	sst s1  }
0xa: {  	[smem:$0x3FAA] =	sst s2  }
0xb: {  	[smem:$0x3FAB] =	sst s3  }
0xc: {  	[smem:$0x3FAC] =	sst s4  }
0xd: {  	[smem:$0x3FAD] =	sst s5  }
0xe: {  	[smem:$0x3FAE] =	sst s6  }
0xf: {  	[smem:$0x3FAF] =	sst s7  }
0x10: {  	[smem:$0x3FB0] =	sst s8  }
0x11: {  	[smem:$0x3FB1] =	sst s9;
	s0 =	simm.s32 @!p0 $0x0  }
0x12: {  	s1 =	sld [smem:$0x3F97];
	s0 =	simm.s32 @p0 $0x1  }
0x13: {  	[smem:$0x3FB2] =	sst s0;
	s0 =	simm.s32 @!p1 $0x0  }
0x14: {  	s2 =	sld [smem:$0x3F96];
	s0 =	simm.s32 @p1 $0x1  }
0x15: {  	[smem:$0x3FB3] =	sst s0;
	s0 =	simm.s32 @!p2 $0x0  }
0x16: {  	s3 =	sld [smem:$0x3FDB];
	s0 =	simm.s32 @p2 $0x1  }
0x17: {  	s4 =	simm.s32 $0x1BF5;
	[smem:$0x3FB5] =	sst s0  }
0x18: {  	s0 =	sld [smem:$0x3F98];
	_ =	swait.ge [sflag:s4], $0x0  }
0x19: {  	s7 =	sld [smem:$0x3F99]  }
0x1a: {  	s8 =	sadd.s32 $0xFFFFE003, lr  }
0x1b: {  	s9 =	sadd.s32 $0xFFFFFEF7, lr;
	s5 =	simm.s32 $0xFFFFFFFF;
	p2 =	slt.u32 s8, $0xFFFFF086  }
0x1c: {  	p1 =	slt.u32 s9, $0xF7A;
	s5 =	simm.s32 @!p2 $0x0  }
0x1d: {  	s5 =	simm.s32 @p1 $0x1;
	p0 =	seq.s32 s7, s2  }
0x1e: {  	s7 =	smul.u32 @!p0 $0xF7A, s2;
	p2 =	seq.s32 @!p0 s5, $0x0  }
0x1f: {  	s9 =	smul.u32 $0xF7A, s1;
	s8 =	simm.s32 @!p0 $0x1BF5;
	p2 =	por !p2, p0  }
0x20: {  	[sflag:s8] =	ssyncset.s32 @!p0 $0xFFFFF086;
	s6 =	sadd.s32 @!p0 s3, s7;
	s7 =	simm.s32 @!p0 $0x108  }
0x21: {  	s3 =	sadd.s32 s3, s9;
	s6 =	sadd.s32 @!p0 $0x88, s6;
	s7 =	simm.s32 @p2 $0x1082  }
0x22: {  	[simem:s7], [sflag:s8] =	dma.local @!p0 [hbm:s6], $0xF7A  }
0x23: {  	s9 =	sor.u32 $0xD0000000, s2;
	s6 =	simm.s32 $0x108;
	_ =	swait.ge @!p0 [sflag:s8], $0x0  }
0x24: {  	s3 =	sadd.s32 $0x88, s3;
	s6 =	simm.s32 @!p1 $0x1082;
	[sflag:s4] =	ssyncset.s32 $0xFFFFF086  }
0x25: {  	[simem:s6], [sflag:s4] =	dma.local [hbm:s3], $0xF7A  }
0x26: {  	[smem:$0x3F99] =	sst s1;
	(tag) =	ssettag s2;
	_ =	strace s9  }
0x27: {  	s1 =	sld [smem:$0x3FA9]  }
0x28: {  	s2 =	sld [smem:$0x3FAA]  }
0x29: {  	s4 =	sld [smem:$0x3FAC]  }
0x2a: {  	p0 =	seq.s32 s5, $0x0;
	s5 =	sld [smem:$0x3FAD]  }
0x2b: {  	s6 =	sld [smem:$0x3FAE]  }
0x2c: {  	s7 =	sld [smem:$0x3FAF]  }
0x2d: {  	s3 =	simm.s32 $0x108;
	s8 =	sld [smem:$0x3FB0]  }
0x2e: {  	s3 =	simm.s32 @!p0 $0x1082;
	s9 =	sld [smem:$0x3FB1]  }
0x2f: {  	lr =	sadd.s32 s0, s3;
	s0 =	sld [smem:$0x3FA8]  }
0x30: {  	s3 =	sld [smem:$0x3FAB]  }
0x31: {  	[smem:$0x3FB4] =	sst s10  }
0x32: {  	s10 =	sld [smem:$0x3FB2];
	_ =	sdelay $0x3  }
0x33: {  	p0 =	seq.s32 s10, $0x1;
	s10 =	sld [smem:$0x3FB4];
	_ =	sdelay $0x3  }
0x34: {  	[smem:$0x3FB4] =	sst s10  }
0x35: {  	s10 =	sld [smem:$0x3FB3];
	_ =	sdelay $0x3  }
0x36: {  	p1 =	seq.s32 s10, $0x1;
	s10 =	sld [smem:$0x3FB4];
	_ =	sdelay $0x3  }
0x37: {  	[smem:$0x3FB4] =	sst s10  }
0x38: {  	s10 =	sld [smem:$0x3FB5]  }
0x39: {  	_ = 	snop;
	(pc) =	sbr.ind lr, $3  }
0x3a: {  	_ = 	snop  }
0x3b: {  	_ = 	snop  }
0x3c: {  	p2 =	seq.s32 s10, $0x1;
	s10 =	sld [smem:$0x3FB4]  }
0x3d: {  	_ =	shalt  }
0x3e: {  	_ =	shalt  }
0x3f: {  	_ =	shalt  }
0x40: {  	_ =	shalt  }
0x41: {  	_ =	shalt  }
0x42: {  	_ =	shalt  }
0x43: {  	_ =	shalt  }
0x44: {  	_ =	shalt  }
0x45: {  	_ =	shalt  }
0x46: {  	_ =	shalt  }
0x47: {  	_ =	shalt  }
0x48: {  	_ =	shalt  }
0x49: {  	_ =	shalt  }
0x4a: {  	_ =	shalt  }
0x4b: {  	_ =	shalt  }
0x4c: {  	_ =	shalt  }
0x4d: {  	_ =	shalt  }
0x4e: {  	_ =	shalt  }
0x4f: {  	_ =	shalt  }
0x50: {  	_ =	shalt  }
0x51: {  	_ =	shalt  }
0x52: {  	_ =	shalt  }
0x53: {  	_ =	shalt  }
0x54: {  	_ =	shalt  }
0x55: {  	_ =	shalt  }
0x56: {  	_ =	shalt  }
0x57: {  	_ =	shalt  }
0x58: {  	_ =	shalt  }
0x59: {  	_ =	shalt  }
0x5a: {  	_ =	shalt  }
0x5b: {  	_ =	shalt  }
0x5c: {  	_ =	shalt  }
0x5d: {  	_ =	shalt  }
0x5e: {  	_ =	shalt  }
0x5f: {  	_ =	shalt  }
0x60: {  	_ =	shalt  }
0x61: {  	_ =	shalt  }
0x62: {  	_ =	shalt  }
0x63: {  	_ =	shalt  }
0x64: {  	_ =	shalt  }
0x65: {  	_ =	shalt  }
0x66: {  	_ =	shalt  }
0x67: {  	_ =	shalt  }
0x68: {  	_ =	shalt  }
0x69: {  	_ =	shalt  }
0x6a: {  	_ =	shalt  }
0x6b: {  	_ =	shalt  }
0x6c: {  	_ =	shalt  }
0x6d: {  	_ =	shalt  }
0x6e: {  	_ =	shalt  }
0x6f: {  	_ =	shalt  }
0x70: {  	_ =	shalt  }
0x71: {  	_ =	shalt  }
0x72: {  	_ =	shalt  }
0x73: {  	_ =	shalt  }
0x74: {  	_ =	shalt  }
0x75: {  	_ =	shalt  }
0x76: {  	_ =	shalt  }
0x77: {  	_ =	shalt  }
0x78: {  	_ =	shalt  }
0x79: {  	_ =	shalt  }
0x7a: {  	_ =	shalt  }
0x7b: {  	_ =	shalt  }
0x7c: {  	_ =	shalt  }
0x7d: {  	_ =	shalt  }
0x7e: {  	_ =	shalt  }
0x7f: {  	_ =	shalt  }
0x80: {  	_ =	shalt  }
0x81: {  	_ =	shalt  }
0x82: {  	_ =	shalt  }
0x83: {  	_ =	shalt  }
0x84: {  	_ =	shalt  }
0x85: {  	_ =	shalt  }
0x86: {  	_ =	shalt  }
0x87: {  	_ =	shalt  }
.Lfunc_end0:
.L_simem_size_0:
called_computation.1_lowered:
.L_overlay_start_0:
0x88: {  	s2 =	sld [smem:$0x3FD9]  }
0x89: {  	s3 =	sld [smem:$0x3FFE];
	_ =	sdelay $0x1  }
0x8a: {  	s1 =	srdreg.scid  }
0x8b: {  	s0 =	sand.u32 $0x1, s1  }
0x8c: {  	s17 =	sshll.u32 s0, $0xA;
	s2 =	sadd.s32 s3, s2  }
0x8d: {  	s2 =	sadd.s32 s2, s17  }
0x8e: {  	[smem:$0x3FC0] =	sst s2  }
0x8f: {  	_ = 	snop  }
0x90: {  	s2 =	sld [smem:$0x3FD0];
	(tm) =	ssettm $0x1  }
0x91: {  	s18 =	sld [smem:$0x3FFB];
	_ =	sdelay $0x3  }
0x92: {  	_ =	strace s18  }
0x93: {  	s3 =	sld [smem:$0x3FFC];
	_ =	sdelay $0x3  }
0x94: {  	_ =	strace s3  }
0x95: {  	s3 =	sld [smem:$0x3FFD];
	_ =	sdelay $0x3  }
0x96: {  	_ =	strace s3  }
0x97: {  	_ =	strace $0x8FFFFFFF  }
0x98: {  	s19 =	sld [smem:$0x3FDB];
	_ =	sdelay $0x1  }
0x99: {  	s4 =	simm.s32 $_scs_section_size  }
0x9a: {  	s5 =	simm.s32 $_size__tile_overlayer_lowered;
	s6 =	simm.s32 $_tile_overlayer_lowered  }
0x9b: {  	s22 =	simm.s32 $0x1BFF;
	s21 =	sshll.u32 s6, $0x1;
	s3 =	sadd.s32 s4, s19  }
0x9c: {  	s7 =	simm.s32 $0x0;
	s20 =	sshll.u32 s5, $0x1;
	s5 =	sadd.s32 s21, s3  }
0x9d: {  	[timem:s7], [sflag:s22] =	dma.local [hbm:s5], s20  }
0x9e: {  	_ =	swait.ge [sflag:s22], s20  }
0x9f: {  	s4 =	ssub.s32 $0x0, s20;
	[sflag:s22] =	ssyncset.done $0x0  }
0xa0: {  	[sflag:s22] =	ssyncadd.s32 s4;
	_ =	sdelay $0x1  }
0xa1: {  	s23 =	simm.s32 $0x1B8B  }
0xa2: {  	_ =	swait.ge [sflag:s23], $0x1  }
0xa3: {  	[sflag:s23] =	ssyncset.done $0x0  }
0xa4: {  	s25 =	simm.s32 $0x1B8E;
	s24 =	sld [smem:$0x3FFE];
	[sflag:s23] =	ssyncadd.s32 $0xFFFFFFFF  }
0xa5: {  	s26 =	simm.s32 $execute0_lowered;
	[smem:$0x3FD2] =	sst s25  }
0xa6: {  	s5 =	sshll.u32 s26, $0x1;
	_ =	strace $0x80000049;
	[dreg:$0x1] =	wrdreg $0xFFFFFFFF  }
0xa7: {  	s28 =	simm.s32 $_size_execute0_lowered;
	s3 =	sadd.s32 s3, s5;
	[dreg:$0x0] =	wrdreg $0x0  }
0xa8: {  	s5 =	sshll.u32 s28, $0x1;
	[dreg:$0x2] =	wrdreg s3  }
0xa9: {  	[dreg:$0x3] =	wrdreg s5  }
0xaa: {  	[dreg:$0x4] =	wrdreg $0xC0  }
0xab: {  	_ =	task [dreg:s7], $0x5FFFF  }
0xac: {  	[dreg:$0x1] =	wrdreg $0xFFFFFFFF  }
0xad: {  	[dreg:$0x0] =	wrdreg $0x60  }
0xae: {  	[dreg:$0x2] =	wrdreg s2  }
0xaf: {  	[dreg:$0x3] =	wrdreg s24  }
0xb0: {  	[dreg:$0x4] =	wrdreg $0x100400  }
0xb1: {  	[dreg:$0x5] =	wrdreg $0x150400  }
0xb2: {  	[dreg:$0x6] =	wrdreg $0x9  }
0xb3: {  	_ =	task.clear_ibuf [dreg:s7], $0x7FFFF;
	_ =	strace $0x90000049  }
0xb4: {  	s29 =	simm.s32 $0x9;
	_ =	strace $0x8000004B  }
0xb5: {  	_ =	swait.ge [sflag:s29], $0x1  }
0xb6: {  	[sflag:s29] =	ssyncadd.s32 $0xFFFFFFFF  }
0xb7: {  	_ =	strace $0x9000004B  }
0xb8: {  	_ =	sfence  }
0xb9: {  	s30 =	sld [smem:$0x0];
	_ =	sdelay $0x2  }
0xba: {  	s31 =	sshll.u32 s1, $0xD;
	s1 =	sshrl.u32 s1, $0x2  }
0xbb: {  	s3 =	sand.u32 $0x4000, s31;
	s1 =	sadd.s32 s1, s30  }
0xbc: {  	s0 =	sor.u32 s3, s0;
	s1 =	sshll.u32 s1, $0x11  }
0xbd: {  	s0 =	sor.u32 s1, s0  }
0xbe: {  	s0 =	sadd.s32 $0x8F2B, s0  }
0xbf: {  	[sflag:s0] =	ssyncadd.remote.s32 $0x1  }
0xc0: {  	_ =	sfence.sel $0xFFFF  }
0xc1: {  	[dreg:$0x0] =	wrdreg $0xFFFFFFFF;
	(pc) =	sbr.abs _section_cstart, $3  }
0xc2: {  	[dreg:$0x1] =	wrdreg $0xFFFFFFFF  }
0xc3: {  	_ =	task.clear_ibuf [dreg:s7], $0x2FFFF;
	_ =	strace $0x9FFFFFFF  }
0xc4: {  	(tm) =	ssettm $0x7FFFFFFF  }
0xc5: {  	_ =	shalt  }
tec
execute0_lowered:
.L_overlay_start_1:
0x0: {  	(tag) =	ssettag $0x1  }
0x1: {  	s7 =	rddreg [dreg:$0x0]  }
0x2: {  	s5 =	rddreg [dreg:$0x1]  }
0x3: {  	s1 =	rddreg [dreg:$0x2]  }
0x4: {  	s3 =	rddreg [dreg:$0x3]  }
0x5: {  	s0 =	rddreg [dreg:$0x4];
	s4 =	simm.s32 $0x0;
	s2 =	stileid.u32  }
0x6: {  	s8 =	srdreg.scid;
	s16 =	simm.s32 $0x4E20;
	s17 =	simm.s32 $0x190  }
0x7: {  	s18 =	simm.s32 $0xCE40;
	s19 =	simm.s32 $0x1;
	s20 =	simm.s32 $0x2  }
0x8: {  	s21 =	simm.s32 $0x9920;
	s22 =	simm.s32 $0x9AB0;
	s23 =	simm.s32 $0x0  }
0x9: {  	[smem:$0x7FF] =	sst s4;
	s6 =	smul.u32 $0x9C4, s2;
	s8 =	sand.u32 $0x1, s8  }
0xa: {  	s9 =	smul.u32 $0xA000, s2;
	s11 =	sadd.s32 $0x71000, s5;
	_ =	strace $0x8000004A  }
0xb: {  	s26 =	ssub.s32 $0x2, s8;
	s8 =	smul.u32 $0xA0000, s8;
	s10 =	sadd.s32 s6, s5  }
0xc: {  	s28 =	sshrl.u32 s26, $0x1;
	s12 =	sadd.s32 $0x6400, s9;
	s14 =	sshrl.u32 s9, $0x1  }
0xd: {  	s13 =	ssub.s32 s26, s28;
	s29 =	sshrl.u32 s12, $0x1;
	s5 =	sadd.s32 s14, s1  }
0xe: {  	s9 =	sadd.s32 s9, s8;
	s15 =	sadd.s32 s14, s3;
	s31 =	sadd.s32 s8, s12  }
0xf: {  	s8 =	sadd.s32 $0x17200, s10;
	s14 =	simm.s32 $0x3;
	s6 =	sadd.s32 s29, s1  }
0x10: {  	s30 =	sshrl.u32 s9, $0x4;
	s12 =	sshrl.u32 s31, $0x4;
	s9 =	sadd.s32 $0xD400, s10  }
0x11: {  	s15 =	sshrl.u32 s15, $0x3;
	s7 =	sadd.s32 s7, s30;
	s10 =	sadd.s32 s11, s30  }
0x12: {  	v0 =	vimm.bf16 $0.0e+00;
	s11 =	sadd.s32 s11, s12;
	s12 =	smax.u32 s13, $0x1;
	s13 =	simm.s32 $0x9C40  }
.LBB2_1:
0x13: {  	s24 =	simm.s32 $0x80;
	s25 =	simm.s32 $0x0  }
.LBB2_2:
0x14: {  	p0 =	sne.s32 s24, $0xC780;
	[tilespmem:s25+$0x9C40] =	vst v0;
	s26 =	smov.u32 s24;
	s24 =	sadd.s32 $0x80, s24  }
.Ltmp0:
0x15: {  	[tilespmem:s25+$0x9C50] =	vst v0;
	(pc) =	sbr.rel @p0 .LBB2_2-.Ltmp0, $2  }
0x16: {  	_ =	sdelay $0x2  }
0x17: {  	s25 =	sshra.s32 s26, $0x2  }
0x18: {  	[tilespmem:s25+$0x9C40] =	vst v0  }
0x19: {  	[tilespmem:s25+$0x9C50] =	vst v0  }
0x1a: {  	[spmem:s5] =	stream.linear.scatter [tilespmem:s13], [sflag:$0x3], $0x3200, $0x38;
	[tilespmem:$0x1A040] =	vst v63  }
0x1b: {  	_ =	swait.ge [sflag:s14], $0x3200  }
0x1c: {  	[sflag:s14] =	ssyncset.done $0x0  }
0x1d: {  	[sflag:s14] =	ssyncadd.s32 $0xFFFFCE00  }
0x1e: {  	[spmem:s6] =	stream.linear.scatter [tilespmem:s13], [sflag:$0x3], $0x1E00, $0x38;
	[tilespmem:$0x1A040] =	vst v63  }
0x1f: {  	_ =	swait.ge [sflag:s14], $0x1E00  }
0x20: {  	s24 =	sshll.u32 s2, $0x6;
	[sflag:s14] =	ssyncset.done $0x0  }
0x21: {  	s24 =	sor.u32 $0x1C03, s24;
	[sflag:s14] =	ssyncadd.s32 $0xFFFFE200  }
0x22: {  	[spmem:s15], [sflag:s24] =	dma.local [hbm:s7], $0xA00  }
0x23: {  	_ =	swait.ge [sflag:s14], $0xA00  }
0x24: {  	[sflag:s14] =	ssyncset.done $0x0  }
0x25: {  	[sflag:s14] =	ssyncadd.s32 $0xFFFFF600  }
0x26: {  	s28 =	simm.s32 $0x0;
	[bflag:$0x0] =	sbarrier.arrive $0xFFFF  }
0x27: {  	[tilespmem:s28], [sflag:$0x3] =	stream.linear.gather [hbm4b:s8+s28], $0x4E20, $0x38;
	[tilespmem:$0x1A040] =	vst v63  }
0x28: {  	_ =	swait.ge [sflag:s14], $0x4E20  }
0x29: {  	[sflag:s14] =	ssyncset.done $0x0  }
0x2a: {  	[sflag:s14] =	ssyncadd.s32 $0xFFFFB1E0  }
0x2b: {  	[tilespmem:s16], [sflag:$0x3] =	stream.linear.gather [hbm4b:s9+s28], $0x4E20, $0x38;
	[tilespmem:$0x1A040] =	vst v63  }
0x2c: {  	_ =	swait.ge [sflag:s14], $0x4E20  }
0x2d: {  	[sflag:s14] =	ssyncset.done $0x0  }
0x2e: {  	[sflag:s14] =	ssyncadd.s32 $0xFFFFB1E0  }
0x2f: {  	[tilespmem:s13], [sflag:$0x1] =	stream.indirect.gather [spmem:s3], $0x20, s28, s17, $0xb8;
	[tilespmem:$0x1A040] =	vst v63  }
0x30: {  	_ = 	snop  }
0x31: {  	[tilespmem:s18], [sflag:$0x2] =	stream.indirect.gather [spmem:s3], $0x20, s17, s17, $0xb8;
	[tilespmem:$0x1A040] =	vst v63  }
0x32: {  	_ =	swait.ge [sflag:s19], $0x3200  }
0x33: {  	[sflag:s19] =	ssyncset.done $0x0  }
0x34: {  	s29 =	simm.s32 $0x4E20;
	[sflag:s19] =	ssyncadd.s32 $0xFFFFCE00  }
0x35: {  	[spmem:s1] =	stream.indirect.scatter.add.bf16 [tilespmem:s13], [sflag:$0x3], $0x20, s29, s17, $0xb8;
	[tilespmem:$0x1A040] =	vst v63  }
0x36: {  	_ =	swait.ge [sflag:s14], $0x3200  }
0x37: {  	[sflag:s14] =	ssyncset.done $0x0  }
0x38: {  	s30 =	simm.s32 $0x320;
	[sflag:s14] =	ssyncadd.s32 $0xFFFFCE00  }
0x39: {  	[tilespmem:s13], [sflag:$0x1] =	stream.indirect.gather [spmem:s3], $0x20, s30, s17, $0xb8;
	[tilespmem:$0x1A040] =	vst v63  }
0x3a: {  	_ =	swait.ge [sflag:s20], $0x3200  }
0x3b: {  	[sflag:s20] =	ssyncset.done $0x0  }
0x3c: {  	s31 =	simm.s32 $0x4FB0;
	[sflag:s20] =	ssyncadd.s32 $0xFFFFCE00  }
0x3d: {  	[spmem:s1] =	stream.indirect.scatter.add.bf16 [tilespmem:s18], [sflag:$0x3], $0x20, s31, s17, $0xb8;
	[tilespmem:$0x1A040] =	vst v63  }
0x3e: {  	_ =	swait.ge [sflag:s14], $0x3200  }
0x3f: {  	[sflag:s14] =	ssyncset.done $0x0  }
0x40: {  	s25 =	simm.s32 $0x4B0;
	s24 =	simm.s32 $0xC80;
	[sflag:s14] =	ssyncadd.s32 $0xFFFFCE00  }
.LBB2_4:
0x41: {  	[tilespmem:s18], [sflag:$0x2] =	stream.indirect.gather [spmem:s3], $0x20, s25, s17, $0xb8;
	[tilespmem:$0x1A040] =	vst v63  }
0x42: {  	s25 =	smov.u32 s24  }
0x43: {  	p0 =	sne.s32 s24, $0x11F80;
	s24 =	sadd.s32 $0xC80, s24;
	_ =	swait.ge [sflag:s19], $0x3200  }
0x44: {  	s25 =	sshra.s32 s25, $0x2;
	[sflag:s19] =	ssyncset.done $0x0  }
0x45: {  	s26 =	sadd.s32 $0x4E20, s25;
	[sflag:s19] =	ssyncadd.s32 $0xFFFFCE00  }
0x46: {  	[spmem:s1] =	stream.indirect.scatter.add.bf16 [tilespmem:s13], [sflag:$0x3], $0x20, s26, s17, $0xb8;
	[tilespmem:$0x1A040] =	vst v63  }
0x47: {  	_ =	swait.ge [sflag:s14], $0x3200  }
0x48: {  	[sflag:s14] =	ssyncset.done $0x0  }
0x49: {  	s26 =	sadd.s32 $0x320, s25;
	[sflag:s14] =	ssyncadd.s32 $0xFFFFCE00  }
0x4a: {  	[tilespmem:s13], [sflag:$0x1] =	stream.indirect.gather [spmem:s3], $0x20, s26, s17, $0xb8;
	[tilespmem:$0x1A040] =	vst v63  }
0x4b: {  	_ =	swait.ge [sflag:s20], $0x3200  }
0x4c: {  	[sflag:s20] =	ssyncset.done $0x0  }
.Ltmp1:
0x4d: {  	s26 =	sadd.s32 $0x4FB0, s25;
	[sflag:s20] =	ssyncadd.s32 $0xFFFFCE00;
	(pc) =	sbr.rel @p0 .LBB2_4-.Ltmp1, $4  }
0x4e: {  	[spmem:s1] =	stream.indirect.scatter.add.bf16 [tilespmem:s18], [sflag:$0x3], $0x20, s26, s17, $0xb8;
	[tilespmem:$0x1A040] =	vst v63  }
0x4f: {  	_ =	swait.ge [sflag:s14], $0x3200  }
0x50: {  	[sflag:s14] =	ssyncset.done $0x0  }
0x51: {  	s25 =	sadd.s32 $0x4B0, s25;
	[sflag:s14] =	ssyncadd.s32 $0xFFFFCE00  }
0x52: {  	[tilespmem:s18], [sflag:$0x2] =	stream.indirect.gather [spmem:s3], $0x20, s25, s17, $0xb8;
	[tilespmem:$0x1A040] =	vst v63  }
0x53: {  	_ =	swait.ge [sflag:s19], $0x3200  }
0x54: {  	[sflag:s19] =	ssyncset.done $0x0  }
0x55: {  	[sflag:s19] =	ssyncadd.s32 $0xFFFFCE00  }
0x56: {  	[spmem:s1] =	stream.indirect.scatter.add.bf16 [tilespmem:s13], [sflag:$0x3], $0x20, s21, s17, $0xb8;
	[tilespmem:$0x1A040] =	vst v63  }
0x57: {  	_ =	swait.ge [sflag:s14], $0x3200  }
0x58: {  	[sflag:s14] =	ssyncset.done $0x0  }
0x59: {  	[sflag:s14] =	ssyncadd.s32 $0xFFFFCE00  }
0x5a: {  	_ =	swait.ge [sflag:s20], $0x3200  }
0x5b: {  	[sflag:s20] =	ssyncset.done $0x0  }
0x5c: {  	[sflag:s20] =	ssyncadd.s32 $0xFFFFCE00  }
0x5d: {  	[spmem:s1] =	stream.indirect.scatter.add.bf16 [tilespmem:s18], [sflag:$0x3], $0x20, s22, s17, $0xb8;
	[tilespmem:$0x1A040] =	vst v63  }
0x5e: {  	_ =	swait.ge [sflag:s14], $0x3200  }
0x5f: {  	[sflag:s14] =	ssyncset.done $0x0  }
0x60: {  	[sflag:s14] =	ssyncadd.s32 $0xFFFFCE00  }
0x61: {  	[bflag:$0x0] =	sbarrier.arrive $0xFFFF  }
0x62: {  	[tilespmem:s13], [sflag:$0x3] =	stream.linear.gather [spmem:s5], $0x3200, $0x38;
	[tilespmem:$0x1A040] =	vst v63  }
0x63: {  	_ =	swait.ge [sflag:s14], $0x3200  }
0x64: {  	[sflag:s14] =	ssyncset.done $0x0  }
0x65: {  	[sflag:s14] =	ssyncadd.s32 $0xFFFFCE00  }
0x66: {  	[hbm4b:s10+s4] =	stream.linear.scatter [tilespmem:s13], [sflag:$0x3], $0x3200, $0x38;
	[tilespmem:$0x1A040] =	vst v63  }
0x67: {  	_ =	swait.ge [sflag:s14], $0x3200  }
0x68: {  	[sflag:s14] =	ssyncset.done $0x0  }
0x69: {  	[sflag:s14] =	ssyncadd.s32 $0xFFFFCE00  }
0x6a: {  	[tilespmem:s13], [sflag:$0x3] =	stream.linear.gather [spmem:s6], $0x1E00, $0x38;
	[tilespmem:$0x1A040] =	vst v63  }
0x6b: {  	s23 =	sadd.s32 $0x1, s23;
	_ =	swait.ge [sflag:s14], $0x1E00  }
0x6c: {  	p0 =	sne.s32 s23, s12;
	[sflag:s14] =	ssyncset.done $0x0  }
.Ltmp2:
0x6d: {  	[sflag:s14] =	ssyncadd.s32 $0xFFFFE200;
	(pc) =	sbr.rel @p0 .LBB2_1-.Ltmp2, $4  }
0x6e: {  	[hbm4b:s11+s4] =	stream.linear.scatter [tilespmem:s13], [sflag:$0x3], $0x1E00, $0x38;
	[tilespmem:$0x1A040] =	vst v63  }
0x6f: {  	_ =	swait.ge [sflag:s14], $0x1E00  }
0x70: {  	[sflag:s14] =	ssyncset.done $0x0  }
0x71: {  	[sflag:s14] =	ssyncadd.s32 $0xFFFFE200  }
0x72: {  	_ =	sfence.sel $0x180000  }
0x73: {  	[bflag:$0x0] =	sbarrier.arrive $0xFFFF  }
0x74: {  	p0 =	sne.s32 s2, $0x0;
	_ =	strace $0x9000004A  }
0x75: {  	s0 =	sadd.s32 @!p0 $0x100000, s0;
	[bflag:$0x2] =	sbarrier.arrive $0xFFFF  }
0x76: {  	[sflag:s0] =	ssyncadd.tile.s32 @!p0 $0x1;
	_ =	shalt  }
.Lfunc_end2:
_tile_overlayer_lowered:
.L_overlay_start_2:
0x77: {  	(tag) =	ssettag $0x2  }
0x78: {  	s0 =	rddreg [dreg:$0x0];
	s2 =	stileid.u32  }
0x79: {  	s1 =	rddreg [dreg:$0x1];
	p0 =	sne.s32 s2, $0x0  }
0x7a: {  	s3 =	rddreg [dreg:$0x2];
	[bflag:$0x3] =	sbarrier.arrive $0xFFFF;
	s2 =	simm.s32 @!p0 $0x1C03  }
0x7b: {  	[timem:s3], [sflag:s2] =	dma.local @!p0 [hbm:s0], s1  }
0x7c: {  	s0 =	simm.s32 @!p0 $0x3  }
0x7d: {  	_ =	swait.ge @!p0 [sflag:s0], s1  }
0x7e: {  	s1 =	ssub.s32 @!p0 $0x0, s1;
	[sflag:s0] =	ssyncset.done @!p0 $0x0  }
0x7f: {  	[sflag:s0] =	ssyncadd.s32 @!p0 s1  }
0x80: {  	[bflag:$0x3] =	sbarrier.arrive $0xFFFF  }
0x81: {  	_ =	shalt  }

// kernel: kernel.14.cloned.1.call-start
scs
__scs_entry_jumppad:
0x0: {  	(pc) =	sbr.rel $0x88, $3  }
0x1: {  	(tag) =	ssettag $0x0;
	lr =	simm.s32 $0x1  }
0x2: {  	[smem:$0x3F99] =	sst lr;
	_ =	strace $0xD0000000  }
0x3: {  	_ = 	snop  }
0x4: {  	_ = 	snop  }
0x5: {  	_ = 	snop  }
0x6: {  	_ = 	snop  }
0x7: {  	_ = 	snop  }
__scs_overlays_trampoline_lowered:
0x8: {  	[smem:$0x3FA8] =	sst s0  }
0x9: {  	[smem:$0x3FA9] =	sst s1  }
0xa: {  	[smem:$0x3FAA] =	sst s2  }
0xb: {  	[smem:$0x3FAB] =	sst s3  }
0xc: {  	[smem:$0x3FAC] =	sst s4  }
0xd: {  	[smem:$0x3FAD] =	sst s5  }
0xe: {  	[smem:$0x3FAE] =	sst s6  }
0xf: {  	[smem:$0x3FAF] =	sst s7  }
0x10: {  	[smem:$0x3FB0] =	sst s8  }
0x11: {  	[smem:$0x3FB1] =	sst s9;
	s0 =	simm.s32 @!p0 $0x0  }
0x12: {  	s1 =	sld [smem:$0x3F97];
	s0 =	simm.s32 @p0 $0x1  }
0x13: {  	[smem:$0x3FB2] =	sst s0;
	s0 =	simm.s32 @!p1 $0x0  }
0x14: {  	s2 =	sld [smem:$0x3F96];
	s0 =	simm.s32 @p1 $0x1  }
0x15: {  	[smem:$0x3FB3] =	sst s0;
	s0 =	simm.s32 @!p2 $0x0  }
0x16: {  	s3 =	sld [smem:$0x3FDB];
	s0 =	simm.s32 @p2 $0x1  }
0x17: {  	s4 =	simm.s32 $0x1BF5;
	[smem:$0x3FB5] =	sst s0  }
0x18: {  	s0 =	sld [smem:$0x3F98];
	_ =	swait.ge [sflag:s4], $0x0  }
0x19: {  	s7 =	sld [smem:$0x3F99]  }
0x1a: {  	s8 =	sadd.s32 $0xFFFFE003, lr  }
0x1b: {  	s9 =	sadd.s32 $0xFFFFFEF7, lr;
	s5 =	simm.s32 $0xFFFFFFFF;
	p2 =	slt.u32 s8, $0xFFFFF086  }
0x1c: {  	p1 =	slt.u32 s9, $0xF7A;
	s5 =	simm.s32 @!p2 $0x0  }
0x1d: {  	s5 =	simm.s32 @p1 $0x1;
	p0 =	seq.s32 s7, s2  }
0x1e: {  	s7 =	smul.u32 @!p0 $0xF7A, s2;
	p2 =	seq.s32 @!p0 s5, $0x0  }
0x1f: {  	s9 =	smul.u32 $0xF7A, s1;
	s8 =	simm.s32 @!p0 $0x1BF5;
	p2 =	por !p2, p0  }
0x20: {  	[sflag:s8] =	ssyncset.s32 @!p0 $0xFFFFF086;
	s6 =	sadd.s32 @!p0 s3, s7;
	s7 =	simm.s32 @!p0 $0x108  }
0x21: {  	s3 =	sadd.s32 s3, s9;
	s6 =	sadd.s32 @!p0 $0x88, s6;
	s7 =	simm.s32 @p2 $0x1082  }
0x22: {  	[simem:s7], [sflag:s8] =	dma.local @!p0 [hbm:s6], $0xF7A  }
0x23: {  	s9 =	sor.u32 $0xD0000000, s2;
	s6 =	simm.s32 $0x108;
	_ =	swait.ge @!p0 [sflag:s8], $0x0  }
0x24: {  	s3 =	sadd.s32 $0x88, s3;
	s6 =	simm.s32 @!p1 $0x1082;
	[sflag:s4] =	ssyncset.s32 $0xFFFFF086  }
0x25: {  	[simem:s6], [sflag:s4] =	dma.local [hbm:s3], $0xF7A  }
0x26: {  	[smem:$0x3F99] =	sst s1;
	(tag) =	ssettag s2;
	_ =	strace s9  }
0x27: {  	s1 =	sld [smem:$0x3FA9]  }
0x28: {  	s2 =	sld [smem:$0x3FAA]  }
0x29: {  	s4 =	sld [smem:$0x3FAC]  }
0x2a: {  	p0 =	seq.s32 s5, $0x0;
	s5 =	sld [smem:$0x3FAD]  }
0x2b: {  	s6 =	sld [smem:$0x3FAE]  }
0x2c: {  	s7 =	sld [smem:$0x3FAF]  }
0x2d: {  	s3 =	simm.s32 $0x108;
	s8 =	sld [smem:$0x3FB0]  }
0x2e: {  	s3 =	simm.s32 @!p0 $0x1082;
	s9 =	sld [smem:$0x3FB1]  }
0x2f: {  	lr =	sadd.s32 s0, s3;
	s0 =	sld [smem:$0x3FA8]  }
0x30: {  	s3 =	sld [smem:$0x3FAB]  }
0x31: {  	[smem:$0x3FB4] =	sst s10  }
0x32: {  	s10 =	sld [smem:$0x3FB2];
	_ =	sdelay $0x3  }
0x33: {  	p0 =	seq.s32 s10, $0x1;
	s10 =	sld [smem:$0x3FB4];
	_ =	sdelay $0x3  }
0x34: {  	[smem:$0x3FB4] =	sst s10  }
0x35: {  	s10 =	sld [smem:$0x3FB3];
	_ =	sdelay $0x3  }
0x36: {  	p1 =	seq.s32 s10, $0x1;
	s10 =	sld [smem:$0x3FB4];
	_ =	sdelay $0x3  }
0x37: {  	[smem:$0x3FB4] =	sst s10  }
0x38: {  	s10 =	sld [smem:$0x3FB5]  }
0x39: {  	_ = 	snop;
	(pc) =	sbr.ind lr, $3  }
0x3a: {  	_ = 	snop  }
0x3b: {  	_ = 	snop  }
0x3c: {  	p2 =	seq.s32 s10, $0x1;
	s10 =	sld [smem:$0x3FB4]  }
0x3d: {  	_ =	shalt  }
0x3e: {  	_ =	shalt  }
0x3f: {  	_ =	shalt  }
0x40: {  	_ =	shalt  }
0x41: {  	_ =	shalt  }
0x42: {  	_ =	shalt  }
0x43: {  	_ =	shalt  }
0x44: {  	_ =	shalt  }
0x45: {  	_ =	shalt  }
0x46: {  	_ =	shalt  }
0x47: {  	_ =	shalt  }
0x48: {  	_ =	shalt  }
0x49: {  	_ =	shalt  }
0x4a: {  	_ =	shalt  }
0x4b: {  	_ =	shalt  }
0x4c: {  	_ =	shalt  }
0x4d: {  	_ =	shalt  }
0x4e: {  	_ =	shalt  }
0x4f: {  	_ =	shalt  }
0x50: {  	_ =	shalt  }
0x51: {  	_ =	shalt  }
0x52: {  	_ =	shalt  }
0x53: {  	_ =	shalt  }
0x54: {  	_ =	shalt  }
0x55: {  	_ =	shalt  }
0x56: {  	_ =	shalt  }
0x57: {  	_ =	shalt  }
0x58: {  	_ =	shalt  }
0x59: {  	_ =	shalt  }
0x5a: {  	_ =	shalt  }
0x5b: {  	_ =	shalt  }
0x5c: {  	_ =	shalt  }
0x5d: {  	_ =	shalt  }
0x5e: {  	_ =	shalt  }
0x5f: {  	_ =	shalt  }
0x60: {  	_ =	shalt  }
0x61: {  	_ =	shalt  }
0x62: {  	_ =	shalt  }
0x63: {  	_ =	shalt  }
0x64: {  	_ =	shalt  }
0x65: {  	_ =	shalt  }
0x66: {  	_ =	shalt  }
0x67: {  	_ =	shalt  }
0x68: {  	_ =	shalt  }
0x69: {  	_ =	shalt  }
0x6a: {  	_ =	shalt  }
0x6b: {  	_ =	shalt  }
0x6c: {  	_ =	shalt  }
0x6d: {  	_ =	shalt  }
0x6e: {  	_ =	shalt  }
0x6f: {  	_ =	shalt  }
0x70: {  	_ =	shalt  }
0x71: {  	_ =	shalt  }
0x72: {  	_ =	shalt  }
0x73: {  	_ =	shalt  }
0x74: {  	_ =	shalt  }
0x75: {  	_ =	shalt  }
0x76: {  	_ =	shalt  }
0x77: {  	_ =	shalt  }
0x78: {  	_ =	shalt  }
0x79: {  	_ =	shalt  }
0x7a: {  	_ =	shalt  }
0x7b: {  	_ =	shalt  }
0x7c: {  	_ =	shalt  }
0x7d: {  	_ =	shalt  }
0x7e: {  	_ =	shalt  }
0x7f: {  	_ =	shalt  }
0x80: {  	_ =	shalt  }
0x81: {  	_ =	shalt  }
0x82: {  	_ =	shalt  }
0x83: {  	_ =	shalt  }
0x84: {  	_ =	shalt  }
0x85: {  	_ =	shalt  }
0x86: {  	_ =	shalt  }
0x87: {  	_ =	shalt  }
.Lfunc_end0:
.L_simem_size_0:
called_computation.2_lowered:
.L_overlay_start_0:
0x88: {  	s2 =	sld [smem:$0x3FD9]  }
0x89: {  	s3 =	sld [smem:$0x3FFE];
	_ =	sdelay $0x1  }
0x8a: {  	s1 =	srdreg.scid  }
0x8b: {  	s0 =	sand.u32 $0x1, s1  }
0x8c: {  	s17 =	sshll.u32 s0, $0xA;
	s2 =	sadd.s32 s3, s2  }
0x8d: {  	s2 =	sadd.s32 s2, s17  }
0x8e: {  	[smem:$0x3FC0] =	sst s2  }
0x8f: {  	_ = 	snop  }
0x90: {  	s2 =	sld [smem:$0x3FD0];
	(tm) =	ssettm $0x1  }
0x91: {  	s18 =	sld [smem:$0x3FFB];
	_ =	sdelay $0x3  }
0x92: {  	_ =	strace s18  }
0x93: {  	s3 =	sld [smem:$0x3FFC];
	_ =	sdelay $0x3  }
0x94: {  	_ =	strace s3  }
0x95: {  	s3 =	sld [smem:$0x3FFD];
	_ =	sdelay $0x3  }
0x96: {  	_ =	strace s3  }
0x97: {  	_ =	strace $0x8FFFFFFF  }
0x98: {  	s19 =	sld [smem:$0x3FDB];
	_ =	sdelay $0x1  }
0x99: {  	s4 =	simm.s32 $_scs_section_size  }
0x9a: {  	s5 =	simm.s32 $_size__tile_overlayer_lowered;
	s6 =	simm.s32 $_tile_overlayer_lowered  }
0x9b: {  	s22 =	simm.s32 $0x1BFF;
	s21 =	sshll.u32 s6, $0x1;
	s3 =	sadd.s32 s4, s19  }
0x9c: {  	s7 =	simm.s32 $0x0;
	s20 =	sshll.u32 s5, $0x1;
	s5 =	sadd.s32 s21, s3  }
0x9d: {  	[timem:s7], [sflag:s22] =	dma.local [hbm:s5], s20  }
0x9e: {  	_ =	swait.ge [sflag:s22], s20  }
0x9f: {  	s4 =	ssub.s32 $0x0, s20;
	[sflag:s22] =	ssyncset.done $0x0  }
0xa0: {  	[sflag:s22] =	ssyncadd.s32 s4;
	_ =	sdelay $0x1  }
0xa1: {  	s23 =	simm.s32 $0x1B8B  }
0xa2: {  	_ =	swait.ge [sflag:s23], $0x1  }
0xa3: {  	[sflag:s23] =	ssyncset.done $0x0  }
0xa4: {  	s25 =	simm.s32 $0x1B8E;
	s24 =	sld [smem:$0x3FFE];
	[sflag:s23] =	ssyncadd.s32 $0xFFFFFFFF  }
0xa5: {  	s26 =	simm.s32 $execute0_lowered;
	[smem:$0x3FD2] =	sst s25  }
0xa6: {  	s5 =	sshll.u32 s26, $0x1;
	_ =	strace $0x8000004C;
	[dreg:$0x1] =	wrdreg $0xFFFFFFFF  }
0xa7: {  	s28 =	simm.s32 $_size_execute0_lowered;
	s3 =	sadd.s32 s3, s5;
	[dreg:$0x0] =	wrdreg $0x0  }
0xa8: {  	s5 =	sshll.u32 s28, $0x1;
	[dreg:$0x2] =	wrdreg s3  }
0xa9: {  	[dreg:$0x3] =	wrdreg s5  }
0xaa: {  	[dreg:$0x4] =	wrdreg $0xC0  }
0xab: {  	_ =	task [dreg:s7], $0x5FFFF  }
0xac: {  	[dreg:$0x1] =	wrdreg $0xFFFFFFFF  }
0xad: {  	[dreg:$0x0] =	wrdreg $0x60  }
0xae: {  	[dreg:$0x2] =	wrdreg s2  }
0xaf: {  	[dreg:$0x3] =	wrdreg s24  }
0xb0: {  	[dreg:$0x4] =	wrdreg $0x100400  }
0xb1: {  	[dreg:$0x5] =	wrdreg $0x150400  }
0xb2: {  	[dreg:$0x6] =	wrdreg $0x9  }
0xb3: {  	_ =	task.clear_ibuf [dreg:s7], $0x7FFFF;
	_ =	strace $0x9000004C  }
0xb4: {  	s29 =	simm.s32 $0x9;
	_ =	strace $0x8000004E  }
0xb5: {  	_ =	swait.ge [sflag:s29], $0x1  }
0xb6: {  	[sflag:s29] =	ssyncadd.s32 $0xFFFFFFFF  }
0xb7: {  	_ =	strace $0x9000004E  }
0xb8: {  	_ =	sfence  }
0xb9: {  	s30 =	sld [smem:$0x0];
	_ =	sdelay $0x2  }
0xba: {  	s31 =	sshll.u32 s1, $0xD;
	s1 =	sshrl.u32 s1, $0x2  }
0xbb: {  	s3 =	sand.u32 $0x4000, s31;
	s1 =	sadd.s32 s1, s30  }
0xbc: {  	s0 =	sor.u32 s3, s0;
	s1 =	sshll.u32 s1, $0x11  }
0xbd: {  	s0 =	sor.u32 s1, s0  }
0xbe: {  	s0 =	sadd.s32 $0x8F2B, s0  }
0xbf: {  	[sflag:s0] =	ssyncadd.remote.s32 $0x1  }
0xc0: {  	_ =	sfence.sel $0xFFFF  }
0xc1: {  	[dreg:$0x0] =	wrdreg $0xFFFFFFFF;
	(pc) =	sbr.abs _section_cstart, $3  }
0xc2: {  	[dreg:$0x1] =	wrdreg $0xFFFFFFFF  }
0xc3: {  	_ =	task.clear_ibuf [dreg:s7], $0x2FFFF;
	_ =	strace $0x9FFFFFFF  }
0xc4: {  	(tm) =	ssettm $0x7FFFFFFF  }
0xc5: {  	_ =	shalt  }
tec
execute0_lowered:
.L_overlay_start_1:
0x0: {  	(tag) =	ssettag $0x1  }
0x1: {  	s7 =	rddreg [dreg:$0x0]  }
0x2: {  	s5 =	rddreg [dreg:$0x1]  }
0x3: {  	s1 =	rddreg [dreg:$0x2]  }
0x4: {  	s3 =	rddreg [dreg:$0x3]  }
0x5: {  	s0 =	rddreg [dreg:$0x4];
	s4 =	simm.s32 $0x0;
	s2 =	stileid.u32  }
0x6: {  	s8 =	srdreg.scid;
	s16 =	simm.s32 $0x4E20;
	s17 =	simm.s32 $0x190  }
0x7: {  	s18 =	simm.s32 $0xCE40;
	s19 =	simm.s32 $0x1;
	s20 =	simm.s32 $0x2  }
0x8: {  	s21 =	simm.s32 $0x9920;
	s22 =	simm.s32 $0x9AB0;
	s23 =	simm.s32 $0x0  }
0x9: {  	[smem:$0x7FF] =	sst s4;
	s6 =	smul.u32 $0x9C4, s2;
	s8 =	sand.u32 $0x1, s8  }
0xa: {  	s9 =	smul.u32 $0xA000, s2;
	s11 =	sadd.s32 $0x71000, s5;
	_ =	strace $0x8000004D  }
0xb: {  	s26 =	ssub.s32 $0x2, s8;
	s8 =	smul.u32 $0xA0000, s8;
	s10 =	sadd.s32 s6, s5  }
0xc: {  	s28 =	sshrl.u32 s26, $0x1;
	s12 =	sadd.s32 $0x6400, s9;
	s14 =	sshrl.u32 s9, $0x1  }
0xd: {  	s13 =	ssub.s32 s26, s28;
	s29 =	sshrl.u32 s12, $0x1;
	s5 =	sadd.s32 s14, s1  }
0xe: {  	s9 =	sadd.s32 s9, s8;
	s15 =	sadd.s32 s14, s3;
	s31 =	sadd.s32 s8, s12  }
0xf: {  	s8 =	sadd.s32 $0x17200, s10;
	s14 =	simm.s32 $0x3;
	s6 =	sadd.s32 s29, s1  }
0x10: {  	s30 =	sshrl.u32 s9, $0x4;
	s12 =	sshrl.u32 s31, $0x4;
	s9 =	sadd.s32 $0xD400, s10  }
0x11: {  	s15 =	sshrl.u32 s15, $0x3;
	s7 =	sadd.s32 s7, s30;
	s10 =	sadd.s32 s11, s30  }
0x12: {  	v0 =	vimm.bf16 $0.0e+00;
	s11 =	sadd.s32 s11, s12;
	s12 =	smax.u32 s13, $0x1;
	s13 =	simm.s32 $0x9C40  }
.LBB2_1:
0x13: {  	s24 =	simm.s32 $0x80;
	s25 =	simm.s32 $0x0  }
.LBB2_2:
0x14: {  	p0 =	sne.s32 s24, $0xC780;
	[tilespmem:s25+$0x9C40] =	vst v0;
	s26 =	smov.u32 s24;
	s24 =	sadd.s32 $0x80, s24  }
.Ltmp0:
0x15: {  	[tilespmem:s25+$0x9C50] =	vst v0;
	(pc) =	sbr.rel @p0 .LBB2_2-.Ltmp0, $2  }
0x16: {  	_ =	sdelay $0x2  }
0x17: {  	s25 =	sshra.s32 s26, $0x2  }
0x18: {  	[tilespmem:s25+$0x9C40] =	vst v0  }
0x19: {  	[tilespmem:s25+$0x9C50] =	vst v0  }
0x1a: {  	[spmem:s5] =	stream.linear.scatter [tilespmem:s13], [sflag:$0x3], $0x3200, $0x38;
	[tilespmem:$0x1A040] =	vst v63  }
0x1b: {  	_ =	swait.ge [sflag:s14], $0x3200  }
0x1c: {  	[sflag:s14] =	ssyncset.done $0x0  }
0x1d: {  	[sflag:s14] =	ssyncadd.s32 $0xFFFFCE00  }
0x1e: {  	[spmem:s6] =	stream.linear.scatter [tilespmem:s13], [sflag:$0x3], $0x1E00, $0x38;
	[tilespmem:$0x1A040] =	vst v63  }
0x1f: {  	_ =	swait.ge [sflag:s14], $0x1E00  }
0x20: {  	s24 =	sshll.u32 s2, $0x6;
	[sflag:s14] =	ssyncset.done $0x0  }
0x21: {  	s24 =	sor.u32 $0x1C03, s24;
	[sflag:s14] =	ssyncadd.s32 $0xFFFFE200  }
0x22: {  	[spmem:s15], [sflag:s24] =	dma.local [hbm:s7], $0xA00  }
0x23: {  	_ =	swait.ge [sflag:s14], $0xA00  }
0x24: {  	[sflag:s14] =	ssyncset.done $0x0  }
0x25: {  	[sflag:s14] =	ssyncadd.s32 $0xFFFFF600  }
0x26: {  	s28 =	simm.s32 $0x0;
	[bflag:$0x0] =	sbarrier.arrive $0xFFFF  }
0x27: {  	[tilespmem:s28], [sflag:$0x3] =	stream.linear.gather [hbm4b:s8+s28], $0x4E20, $0x38;
	[tilespmem:$0x1A040] =	vst v63  }
0x28: {  	_ =	swait.ge [sflag:s14], $0x4E20  }
0x29: {  	[sflag:s14] =	ssyncset.done $0x0  }
0x2a: {  	[sflag:s14] =	ssyncadd.s32 $0xFFFFB1E0  }
0x2b: {  	[tilespmem:s16], [sflag:$0x3] =	stream.linear.gather [hbm4b:s9+s28], $0x4E20, $0x38;
	[tilespmem:$0x1A040] =	vst v63  }
0x2c: {  	_ =	swait.ge [sflag:s14], $0x4E20  }
0x2d: {  	[sflag:s14] =	ssyncset.done $0x0  }
0x2e: {  	[sflag:s14] =	ssyncadd.s32 $0xFFFFB1E0  }
0x2f: {  	[tilespmem:s13], [sflag:$0x1] =	stream.indirect.gather [spmem:s3], $0x20, s28, s17, $0xb8;
	[tilespmem:$0x1A040] =	vst v63  }
0x30: {  	_ = 	snop  }
0x31: {  	[tilespmem:s18], [sflag:$0x2] =	stream.indirect.gather [spmem:s3], $0x20, s17, s17, $0xb8;
	[tilespmem:$0x1A040] =	vst v63  }
0x32: {  	_ =	swait.ge [sflag:s19], $0x3200  }
0x33: {  	[sflag:s19] =	ssyncset.done $0x0  }
0x34: {  	s29 =	simm.s32 $0x4E20;
	[sflag:s19] =	ssyncadd.s32 $0xFFFFCE00  }
0x35: {  	[spmem:s1] =	stream.indirect.scatter.add.bf16 [tilespmem:s13], [sflag:$0x3], $0x20, s29, s17, $0xb8;
	[tilespmem:$0x1A040] =	vst v63  }
0x36: {  	_ =	swait.ge [sflag:s14], $0x3200  }
0x37: {  	[sflag:s14] =	ssyncset.done $0x0  }
0x38: {  	s30 =	simm.s32 $0x320;
	[sflag:s14] =	ssyncadd.s32 $0xFFFFCE00  }
0x39: {  	[tilespmem:s13], [sflag:$0x1] =	stream.indirect.gather [spmem:s3], $0x20, s30, s17, $0xb8;
	[tilespmem:$0x1A040] =	vst v63  }
0x3a: {  	_ =	swait.ge [sflag:s20], $0x3200  }
0x3b: {  	[sflag:s20] =	ssyncset.done $0x0  }
0x3c: {  	s31 =	simm.s32 $0x4FB0;
	[sflag:s20] =	ssyncadd.s32 $0xFFFFCE00  }
0x3d: {  	[spmem:s1] =	stream.indirect.scatter.add.bf16 [tilespmem:s18], [sflag:$0x3], $0x20, s31, s17, $0xb8;
	[tilespmem:$0x1A040] =	vst v63  }
0x3e: {  	_ =	swait.ge [sflag:s14], $0x3200  }
0x3f: {  	[sflag:s14] =	ssyncset.done $0x0  }
0x40: {  	s25 =	simm.s32 $0x4B0;
	s24 =	simm.s32 $0xC80;
	[sflag:s14] =	ssyncadd.s32 $0xFFFFCE00  }
.LBB2_4:
0x41: {  	[tilespmem:s18], [sflag:$0x2] =	stream.indirect.gather [spmem:s3], $0x20, s25, s17, $0xb8;
	[tilespmem:$0x1A040] =	vst v63  }
0x42: {  	s25 =	smov.u32 s24  }
0x43: {  	p0 =	sne.s32 s24, $0x11F80;
	s24 =	sadd.s32 $0xC80, s24;
	_ =	swait.ge [sflag:s19], $0x3200  }
0x44: {  	s25 =	sshra.s32 s25, $0x2;
	[sflag:s19] =	ssyncset.done $0x0  }
0x45: {  	s26 =	sadd.s32 $0x4E20, s25;
	[sflag:s19] =	ssyncadd.s32 $0xFFFFCE00  }
0x46: {  	[spmem:s1] =	stream.indirect.scatter.add.bf16 [tilespmem:s13], [sflag:$0x3], $0x20, s26, s17, $0xb8;
	[tilespmem:$0x1A040] =	vst v63  }
0x47: {  	_ =	swait.ge [sflag:s14], $0x3200  }
0x48: {  	[sflag:s14] =	ssyncset.done $0x0  }
0x49: {  	s26 =	sadd.s32 $0x320, s25;
	[sflag:s14] =	ssyncadd.s32 $0xFFFFCE00  }
0x4a: {  	[tilespmem:s13], [sflag:$0x1] =	stream.indirect.gather [spmem:s3], $0x20, s26, s17, $0xb8;
	[tilespmem:$0x1A040] =	vst v63  }
0x4b: {  	_ =	swait.ge [sflag:s20], $0x3200  }
0x4c: {  	[sflag:s20] =	ssyncset.done $0x0  }
.Ltmp1:
0x4d: {  	s26 =	sadd.s32 $0x4FB0, s25;
	[sflag:s20] =	ssyncadd.s32 $0xFFFFCE00;
	(pc) =	sbr.rel @p0 .LBB2_4-.Ltmp1, $4  }
0x4e: {  	[spmem:s1] =	stream.indirect.scatter.add.bf16 [tilespmem:s18], [sflag:$0x3], $0x20, s26, s17, $0xb8;
	[tilespmem:$0x1A040] =	vst v63  }
0x4f: {  	_ =	swait.ge [sflag:s14], $0x3200  }
0x50: {  	[sflag:s14] =	ssyncset.done $0x0  }
0x51: {  	s25 =	sadd.s32 $0x4B0, s25;
	[sflag:s14] =	ssyncadd.s32 $0xFFFFCE00  }
0x52: {  	[tilespmem:s18], [sflag:$0x2] =	stream.indirect.gather [spmem:s3], $0x20, s25, s17, $0xb8;
	[tilespmem:$0x1A040] =	vst v63  }
0x53: {  	_ =	swait.ge [sflag:s19], $0x3200  }
0x54: {  	[sflag:s19] =	ssyncset.done $0x0  }
0x55: {  	[sflag:s19] =	ssyncadd.s32 $0xFFFFCE00  }
0x56: {  	[spmem:s1] =	stream.indirect.scatter.add.bf16 [tilespmem:s13], [sflag:$0x3], $0x20, s21, s17, $0xb8;
	[tilespmem:$0x1A040] =	vst v63  }
0x57: {  	_ =	swait.ge [sflag:s14], $0x3200  }
0x58: {  	[sflag:s14] =	ssyncset.done $0x0  }
0x59: {  	[sflag:s14] =	ssyncadd.s32 $0xFFFFCE00  }
0x5a: {  	_ =	swait.ge [sflag:s20], $0x3200  }
0x5b: {  	[sflag:s20] =	ssyncset.done $0x0  }
0x5c: {  	[sflag:s20] =	ssyncadd.s32 $0xFFFFCE00  }
0x5d: {  	[spmem:s1] =	stream.indirect.scatter.add.bf16 [tilespmem:s18], [sflag:$0x3], $0x20, s22, s17, $0xb8;
	[tilespmem:$0x1A040] =	vst v63  }
0x5e: {  	_ =	swait.ge [sflag:s14], $0x3200  }
0x5f: {  	[sflag:s14] =	ssyncset.done $0x0  }
0x60: {  	[sflag:s14] =	ssyncadd.s32 $0xFFFFCE00  }
0x61: {  	[bflag:$0x0] =	sbarrier.arrive $0xFFFF  }
0x62: {  	[tilespmem:s13], [sflag:$0x3] =	stream.linear.gather [spmem:s5], $0x3200, $0x38;
	[tilespmem:$0x1A040] =	vst v63  }
0x63: {  	_ =	swait.ge [sflag:s14], $0x3200  }
0x64: {  	[sflag:s14] =	ssyncset.done $0x0  }
0x65: {  	[sflag:s14] =	ssyncadd.s32 $0xFFFFCE00  }
0x66: {  	[hbm4b:s10+s4] =	stream.linear.scatter [tilespmem:s13], [sflag:$0x3], $0x3200, $0x38;
	[tilespmem:$0x1A040] =	vst v63  }
0x67: {  	_ =	swait.ge [sflag:s14], $0x3200  }
0x68: {  	[sflag:s14] =	ssyncset.done $0x0  }
0x69: {  	[sflag:s14] =	ssyncadd.s32 $0xFFFFCE00  }
0x6a: {  	[tilespmem:s13], [sflag:$0x3] =	stream.linear.gather [spmem:s6], $0x1E00, $0x38;
	[tilespmem:$0x1A040] =	vst v63  }
0x6b: {  	s23 =	sadd.s32 $0x1, s23;
	_ =	swait.ge [sflag:s14], $0x1E00  }
0x6c: {  	p0 =	sne.s32 s23, s12;
	[sflag:s14] =	ssyncset.done $0x0  }
.Ltmp2:
0x6d: {  	[sflag:s14] =	ssyncadd.s32 $0xFFFFE200;
	(pc) =	sbr.rel @p0 .LBB2_1-.Ltmp2, $4  }
0x6e: {  	[hbm4b:s11+s4] =	stream.linear.scatter [tilespmem:s13], [sflag:$0x3], $0x1E00, $0x38;
	[tilespmem:$0x1A040] =	vst v63  }
0x6f: {  	_ =	swait.ge [sflag:s14], $0x1E00  }
0x70: {  	[sflag:s14] =	ssyncset.done $0x0  }
0x71: {  	[sflag:s14] =	ssyncadd.s32 $0xFFFFE200  }
0x72: {  	_ =	sfence.sel $0x180000  }
0x73: {  	[bflag:$0x0] =	sbarrier.arrive $0xFFFF  }
0x74: {  	p0 =	sne.s32 s2, $0x0;
	_ =	strace $0x9000004D  }
0x75: {  	s0 =	sadd.s32 @!p0 $0x100000, s0;
	[bflag:$0x2] =	sbarrier.arrive $0xFFFF  }
0x76: {  	[sflag:s0] =	ssyncadd.tile.s32 @!p0 $0x1;
	_ =	shalt  }
.Lfunc_end2:
_tile_overlayer_lowered:
.L_overlay_start_2:
0x77: {  	(tag) =	ssettag $0x2  }
0x78: {  	s0 =	rddreg [dreg:$0x0];
	s2 =	stileid.u32  }
0x79: {  	s1 =	rddreg [dreg:$0x1];
	p0 =	sne.s32 s2, $0x0  }
0x7a: {  	s3 =	rddreg [dreg:$0x2];
	[bflag:$0x3] =	sbarrier.arrive $0xFFFF;
	s2 =	simm.s32 @!p0 $0x1C03  }
0x7b: {  	[timem:s3], [sflag:s2] =	dma.local @!p0 [hbm:s0], s1  }
0x7c: {  	s0 =	simm.s32 @!p0 $0x3  }
0x7d: {  	_ =	swait.ge @!p0 [sflag:s0], s1  }
0x7e: {  	s1 =	ssub.s32 @!p0 $0x0, s1;
	[sflag:s0] =	ssyncset.done @!p0 $0x0  }
0x7f: {  	[sflag:s0] =	ssyncadd.s32 @!p0 s1  }
0x80: {  	[bflag:$0x3] =	sbarrier.arrive $0xFFFF  }
0x81: {  	_ =	shalt  }

// kernel: kernel.8.cloned.1.call-start
scs
__scs_entry_jumppad:
0x0: {  	(pc) =	sbr.rel $0x88, $3  }
0x1: {  	(tag) =	ssettag $0x0;
	lr =	simm.s32 $0x1  }
0x2: {  	[smem:$0x3F99] =	sst lr;
	_ =	strace $0xD0000000  }
0x3: {  	_ = 	snop  }
0x4: {  	_ = 	snop  }
0x5: {  	_ = 	snop  }
0x6: {  	_ = 	snop  }
0x7: {  	_ = 	snop  }
__scs_overlays_trampoline_lowered:
0x8: {  	[smem:$0x3FA8] =	sst s0  }
0x9: {  	[smem:$0x3FA9] =	sst s1  }
0xa: {  	[smem:$0x3FAA] =	sst s2  }
0xb: {  	[smem:$0x3FAB] =	sst s3  }
0xc: {  	[smem:$0x3FAC] =	sst s4  }
0xd: {  	[smem:$0x3FAD] =	sst s5  }
0xe: {  	[smem:$0x3FAE] =	sst s6  }
0xf: {  	[smem:$0x3FAF] =	sst s7  }
0x10: {  	[smem:$0x3FB0] =	sst s8  }
0x11: {  	[smem:$0x3FB1] =	sst s9;
	s0 =	simm.s32 @!p0 $0x0  }
0x12: {  	s1 =	sld [smem:$0x3F97];
	s0 =	simm.s32 @p0 $0x1  }
0x13: {  	[smem:$0x3FB2] =	sst s0;
	s0 =	simm.s32 @!p1 $0x0  }
0x14: {  	s2 =	sld [smem:$0x3F96];
	s0 =	simm.s32 @p1 $0x1  }
0x15: {  	[smem:$0x3FB3] =	sst s0;
	s0 =	simm.s32 @!p2 $0x0  }
0x16: {  	s3 =	sld [smem:$0x3FDB];
	s0 =	simm.s32 @p2 $0x1  }
0x17: {  	s4 =	simm.s32 $0x1BF5;
	[smem:$0x3FB5] =	sst s0  }
0x18: {  	s0 =	sld [smem:$0x3F98];
	_ =	swait.ge [sflag:s4], $0x0  }
0x19: {  	s7 =	sld [smem:$0x3F99]  }
0x1a: {  	s8 =	sadd.s32 $0xFFFFE003, lr  }
0x1b: {  	s9 =	sadd.s32 $0xFFFFFEF7, lr;
	s5 =	simm.s32 $0xFFFFFFFF;
	p2 =	slt.u32 s8, $0xFFFFF086  }
0x1c: {  	p1 =	slt.u32 s9, $0xF7A;
	s5 =	simm.s32 @!p2 $0x0  }
0x1d: {  	s5 =	simm.s32 @p1 $0x1;
	p0 =	seq.s32 s7, s2  }
0x1e: {  	s7 =	smul.u32 @!p0 $0xF7A, s2;
	p2 =	seq.s32 @!p0 s5, $0x0  }
0x1f: {  	s9 =	smul.u32 $0xF7A, s1;
	s8 =	simm.s32 @!p0 $0x1BF5;
	p2 =	por !p2, p0  }
0x20: {  	[sflag:s8] =	ssyncset.s32 @!p0 $0xFFFFF086;
	s6 =	sadd.s32 @!p0 s3, s7;
	s7 =	simm.s32 @!p0 $0x108  }
0x21: {  	s3 =	sadd.s32 s3, s9;
	s6 =	sadd.s32 @!p0 $0x88, s6;
	s7 =	simm.s32 @p2 $0x1082  }
0x22: {  	[simem:s7], [sflag:s8] =	dma.local @!p0 [hbm:s6], $0xF7A  }
0x23: {  	s9 =	sor.u32 $0xD0000000, s2;
	s6 =	simm.s32 $0x108;
	_ =	swait.ge @!p0 [sflag:s8], $0x0  }
0x24: {  	s3 =	sadd.s32 $0x88, s3;
	s6 =	simm.s32 @!p1 $0x1082;
	[sflag:s4] =	ssyncset.s32 $0xFFFFF086  }
0x25: {  	[simem:s6], [sflag:s4] =	dma.local [hbm:s3], $0xF7A  }
0x26: {  	[smem:$0x3F99] =	sst s1;
	(tag) =	ssettag s2;
	_ =	strace s9  }
0x27: {  	s1 =	sld [smem:$0x3FA9]  }
0x28: {  	s2 =	sld [smem:$0x3FAA]  }
0x29: {  	s4 =	sld [smem:$0x3FAC]  }
0x2a: {  	p0 =	seq.s32 s5, $0x0;
	s5 =	sld [smem:$0x3FAD]  }
0x2b: {  	s6 =	sld [smem:$0x3FAE]  }
0x2c: {  	s7 =	sld [smem:$0x3FAF]  }
0x2d: {  	s3 =	simm.s32 $0x108;
	s8 =	sld [smem:$0x3FB0]  }
0x2e: {  	s3 =	simm.s32 @!p0 $0x1082;
	s9 =	sld [smem:$0x3FB1]  }
0x2f: {  	lr =	sadd.s32 s0, s3;
	s0 =	sld [smem:$0x3FA8]  }
0x30: {  	s3 =	sld [smem:$0x3FAB]  }
0x31: {  	[smem:$0x3FB4] =	sst s10  }
0x32: {  	s10 =	sld [smem:$0x3FB2];
	_ =	sdelay $0x3  }
0x33: {  	p0 =	seq.s32 s10, $0x1;
	s10 =	sld [smem:$0x3FB4];
	_ =	sdelay $0x3  }
0x34: {  	[smem:$0x3FB4] =	sst s10  }
0x35: {  	s10 =	sld [smem:$0x3FB3];
	_ =	sdelay $0x3  }
0x36: {  	p1 =	seq.s32 s10, $0x1;
	s10 =	sld [smem:$0x3FB4];
	_ =	sdelay $0x3  }
0x37: {  	[smem:$0x3FB4] =	sst s10  }
0x38: {  	s10 =	sld [smem:$0x3FB5]  }
0x39: {  	_ = 	snop;
	(pc) =	sbr.ind lr, $3  }
0x3a: {  	_ = 	snop  }
0x3b: {  	_ = 	snop  }
0x3c: {  	p2 =	seq.s32 s10, $0x1;
	s10 =	sld [smem:$0x3FB4]  }
0x3d: {  	_ =	shalt  }
0x3e: {  	_ =	shalt  }
0x3f: {  	_ =	shalt  }
0x40: {  	_ =	shalt  }
0x41: {  	_ =	shalt  }
0x42: {  	_ =	shalt  }
0x43: {  	_ =	shalt  }
0x44: {  	_ =	shalt  }
0x45: {  	_ =	shalt  }
0x46: {  	_ =	shalt  }
0x47: {  	_ =	shalt  }
0x48: {  	_ =	shalt  }
0x49: {  	_ =	shalt  }
0x4a: {  	_ =	shalt  }
0x4b: {  	_ =	shalt  }
0x4c: {  	_ =	shalt  }
0x4d: {  	_ =	shalt  }
0x4e: {  	_ =	shalt  }
0x4f: {  	_ =	shalt  }
0x50: {  	_ =	shalt  }
0x51: {  	_ =	shalt  }
0x52: {  	_ =	shalt  }
0x53: {  	_ =	shalt  }
0x54: {  	_ =	shalt  }
0x55: {  	_ =	shalt  }
0x56: {  	_ =	shalt  }
0x57: {  	_ =	shalt  }
0x58: {  	_ =	shalt  }
0x59: {  	_ =	shalt  }
0x5a: {  	_ =	shalt  }
0x5b: {  	_ =	shalt  }
0x5c: {  	_ =	shalt  }
0x5d: {  	_ =	shalt  }
0x5e: {  	_ =	shalt  }
0x5f: {  	_ =	shalt  }
0x60: {  	_ =	shalt  }
0x61: {  	_ =	shalt  }
0x62: {  	_ =	shalt  }
0x63: {  	_ =	shalt  }
0x64: {  	_ =	shalt  }
0x65: {  	_ =	shalt  }
0x66: {  	_ =	shalt  }
0x67: {  	_ =	shalt  }
0x68: {  	_ =	shalt  }
0x69: {  	_ =	shalt  }
0x6a: {  	_ =	shalt  }
0x6b: {  	_ =	shalt  }
0x6c: {  	_ =	shalt  }
0x6d: {  	_ =	shalt  }
0x6e: {  	_ =	shalt  }
0x6f: {  	_ =	shalt  }
0x70: {  	_ =	shalt  }
0x71: {  	_ =	shalt  }
0x72: {  	_ =	shalt  }
0x73: {  	_ =	shalt  }
0x74: {  	_ =	shalt  }
0x75: {  	_ =	shalt  }
0x76: {  	_ =	shalt  }
0x77: {  	_ =	shalt  }
0x78: {  	_ =	shalt  }
0x79: {  	_ =	shalt  }
0x7a: {  	_ =	shalt  }
0x7b: {  	_ =	shalt  }
0x7c: {  	_ =	shalt  }
0x7d: {  	_ =	shalt  }
0x7e: {  	_ =	shalt  }
0x7f: {  	_ =	shalt  }
0x80: {  	_ =	shalt  }
0x81: {  	_ =	shalt  }
0x82: {  	_ =	shalt  }
0x83: {  	_ =	shalt  }
0x84: {  	_ =	shalt  }
0x85: {  	_ =	shalt  }
0x86: {  	_ =	shalt  }
0x87: {  	_ =	shalt  }
.Lfunc_end0:
.L_simem_size_0:
called_computation_lowered:
.L_overlay_start_0:
0x88: {  	s2 =	sld [smem:$0x3FD9]  }
0x89: {  	s3 =	sld [smem:$0x3FFE];
	_ =	sdelay $0x1  }
0x8a: {  	s1 =	srdreg.scid  }
0x8b: {  	s0 =	sand.u32 $0x1, s1  }
0x8c: {  	s17 =	sshll.u32 s0, $0xA;
	s2 =	sadd.s32 s3, s2  }
0x8d: {  	s2 =	sadd.s32 s2, s17  }
0x8e: {  	[smem:$0x3FC0] =	sst s2  }
0x8f: {  	_ = 	snop  }
0x90: {  	s2 =	sld [smem:$0x3FD0];
	(tm) =	ssettm $0x1  }
0x91: {  	s18 =	sld [smem:$0x3FFB];
	_ =	sdelay $0x3  }
0x92: {  	_ =	strace s18  }
0x93: {  	s3 =	sld [smem:$0x3FFC];
	_ =	sdelay $0x3  }
0x94: {  	_ =	strace s3  }
0x95: {  	s3 =	sld [smem:$0x3FFD];
	_ =	sdelay $0x3  }
0x96: {  	_ =	strace s3  }
0x97: {  	_ =	strace $0x8FFFFFFF  }
0x98: {  	s19 =	sld [smem:$0x3FDB];
	_ =	sdelay $0x1  }
0x99: {  	s4 =	simm.s32 $_scs_section_size  }
0x9a: {  	s5 =	simm.s32 $_size__tile_overlayer_lowered;
	s6 =	simm.s32 $_tile_overlayer_lowered  }
0x9b: {  	s22 =	simm.s32 $0x1BFF;
	s21 =	sshll.u32 s6, $0x1;
	s3 =	sadd.s32 s4, s19  }
0x9c: {  	s7 =	simm.s32 $0x0;
	s20 =	sshll.u32 s5, $0x1;
	s5 =	sadd.s32 s21, s3  }
0x9d: {  	[timem:s7], [sflag:s22] =	dma.local [hbm:s5], s20  }
0x9e: {  	_ =	swait.ge [sflag:s22], s20  }
0x9f: {  	s4 =	ssub.s32 $0x0, s20;
	[sflag:s22] =	ssyncset.done $0x0  }
0xa0: {  	[sflag:s22] =	ssyncadd.s32 s4;
	_ =	sdelay $0x1  }
0xa1: {  	s23 =	simm.s32 $0x1B8B  }
0xa2: {  	_ =	swait.ge [sflag:s23], $0x1  }
0xa3: {  	[sflag:s23] =	ssyncset.done $0x0  }
0xa4: {  	s25 =	simm.s32 $0x1B8E;
	s24 =	sld [smem:$0x3FFE];
	[sflag:s23] =	ssyncadd.s32 $0xFFFFFFFF  }
0xa5: {  	s26 =	simm.s32 $execute0_lowered;
	[smem:$0x3FD2] =	sst s25  }
0xa6: {  	s5 =	sshll.u32 s26, $0x1;
	_ =	strace $0x80000046;
	[dreg:$0x1] =	wrdreg $0xFFFFFFFF  }
0xa7: {  	s28 =	simm.s32 $_size_execute0_lowered;
	s3 =	sadd.s32 s3, s5;
	[dreg:$0x0] =	wrdreg $0x0  }
0xa8: {  	s5 =	sshll.u32 s28, $0x1;
	[dreg:$0x2] =	wrdreg s3  }
0xa9: {  	[dreg:$0x3] =	wrdreg s5  }
0xaa: {  	[dreg:$0x4] =	wrdreg $0xC0  }
0xab: {  	_ =	task [dreg:s7], $0x5FFFF  }
0xac: {  	[dreg:$0x1] =	wrdreg $0xFFFFFFFF  }
0xad: {  	[dreg:$0x0] =	wrdreg $0x60  }
0xae: {  	[dreg:$0x2] =	wrdreg s2  }
0xaf: {  	[dreg:$0x3] =	wrdreg s24  }
0xb0: {  	[dreg:$0x4] =	wrdreg $0x8F200  }
0xb1: {  	[dreg:$0x5] =	wrdreg $0x9  }
0xb2: {  	_ =	task.clear_ibuf [dreg:s7], $0x6FFFF;
	_ =	strace $0x90000046  }
0xb3: {  	s29 =	simm.s32 $0x9;
	_ =	strace $0x80000048  }
0xb4: {  	_ =	swait.ge [sflag:s29], $0x1  }
0xb5: {  	[sflag:s29] =	ssyncadd.s32 $0xFFFFFFFF  }
0xb6: {  	_ =	strace $0x90000048  }
0xb7: {  	_ =	sfence  }
0xb8: {  	s30 =	sld [smem:$0x0];
	_ =	sdelay $0x2  }
0xb9: {  	s31 =	sshll.u32 s1, $0xD;
	s1 =	sshrl.u32 s1, $0x2  }
0xba: {  	s3 =	sand.u32 $0x4000, s31;
	s1 =	sadd.s32 s1, s30  }
0xbb: {  	s0 =	sor.u32 s3, s0;
	s1 =	sshll.u32 s1, $0x11  }
0xbc: {  	s0 =	sor.u32 s1, s0  }
0xbd: {  	s0 =	sadd.s32 $0x8F2B, s0  }
0xbe: {  	[sflag:s0] =	ssyncadd.remote.s32 $0x1  }
0xbf: {  	_ =	sfence.sel $0xFFFF  }
0xc0: {  	[dreg:$0x0] =	wrdreg $0xFFFFFFFF;
	(pc) =	sbr.abs _section_cstart, $3  }
0xc1: {  	[dreg:$0x1] =	wrdreg $0xFFFFFFFF  }
0xc2: {  	_ =	task.clear_ibuf [dreg:s7], $0x2FFFF;
	_ =	strace $0x9FFFFFFF  }
0xc3: {  	(tm) =	ssettm $0x7FFFFFFF  }
tec
execute0_lowered:
.L_overlay_start_1:
0x0: {  	(tag) =	ssettag $0x1  }
0x1: {  	s5 =	rddreg [dreg:$0x0];
	s0 =	stileid.u32  }
0x2: {  	s1 =	srdreg.scid;
	s7 =	smul.u32 $0x2800, s0  }
0x3: {  	s4 =	rddreg [dreg:$0x1];
	s6 =	sand.u32 $0x1, s1;
	s10 =	smul.u32 $0x4E20, s0  }
0x4: {  	s2 =	rddreg [dreg:$0x2];
	s3 =	simm.s32 $0x0;
	s8 =	smul.u32 $0x28000, s6  }
0x5: {  	s12 =	simm.s32 $0x0;
	[smem:$0x7FF] =	sst s3;
	s9 =	smul.u32 $0x4E200, s6  }
0x6: {  	s1 =	rddreg [dreg:$0x3];
	_ =	strace $0x80000047;
	s6 =	ssub.s32 $0x2, s6  }
0x7: {  	s11 =	sshrl.u32 s6, $0x1;
	s8 =	sadd.s32 s7, s8;
	s9 =	sadd.s32 s10, s9  }
0x8: {  	s30 =	ssub.s32 s6, s11;
	s10 =	simm.s32 $0x190;
	s11 =	simm.s32 $0x4E20  }
0x9: {  	s8 =	sshrl.u32 s8, $0x3;
	s31 =	sshrl.u32 s9, $0x3;
	s9 =	simm.s32 $0x1  }
0xa: {  	s8 =	sadd.s32 s8, s4;
	s4 =	sadd.s32 s7, s2;
	s5 =	sadd.s32 s5, s31  }
0xb: {  	v0 =	vimm.f32 $1.000000000e+00;
	v1 =	vimm.f32 $0.0e+00;
	s7 =	smax.u32 s30, $0x1;
	s6 =	sadd.s32 $0x3400, s8;
	s8 =	simm.s32 $0x6720  }
.LBB2_1:
0xc: {  	s13 =	simm.s32 $0x0  }
.LBB2_2:
0xd: {  	p0 =	sne.s32 s13, $0x63C0  }
.Ltmp0:
0xe: {  	_ = 	snop;
	(pc) =	sbr.rel @p0 .LBB2_2-.Ltmp0, $3  }
0xf: {  	_ =	sdelay $0x1  }
0x10: {  	s14 =	sshra.s32 s13, $0x2  }
0x11: {  	s13 =	sadd.s32 $0x40, s13;
	[tilespmem:s14+$0x4E20] =	vst v0  }
0x12: {  	s13 =	simm.s32 $0x40;
	s14 =	simm.s32 $0x0  }
.LBB2_4:
0x13: {  	p0 =	sne.s32 s13, $0x9FC0;
	[tilespmem:s14+$0x6720] =	vst v1;
	s14 =	smov.u32 s13;
	s13 =	sadd.s32 $0x40, s13  }
.Ltmp1:
0x14: {  	(pc) =	sbr.rel @p0 .LBB2_4-.Ltmp1, $2  }
0x15: {  	_ =	sdelay $0x2  }
0x16: {  	s14 =	sshra.s32 s14, $0x2  }
0x17: {  	[tilespmem:s14+$0x6720] =	vst v1  }
0x18: {  	[spmem:s4] =	stream.linear.scatter [tilespmem:s8], [sflag:$0x1], $0x2800, $0x38;
	[tilespmem:$0xB720] =	vst v63  }
0x19: {  	_ =	swait.ge [sflag:s9], $0x2800  }
0x1a: {  	[sflag:s9] =	ssyncset.done $0x0  }
0x1b: {  	[sflag:s9] =	ssyncadd.s32 $0xFFFFD800  }
0x1c: {  	s13 =	simm.s32 $0x0;
	[bflag:$0x0] =	sbarrier.arrive $0xFFFF  }
0x1d: {  	[tilespmem:s13], [sflag:$0x1] =	stream.linear.gather [hbm4b:s5+s13], $0x4E20, $0x38;
	[tilespmem:$0xB720] =	vst v63  }
0x1e: {  	_ =	swait.ge [sflag:s9], $0x4E20  }
0x1f: {  	[sflag:s9] =	ssyncset.done $0x0  }
0x20: {  	s31 =	simm.s32 $0x0;
	[sflag:s9] =	ssyncadd.s32 $0xFFFFB1E0  }
0x21: {  	[spmem:s2] =	stream.indirect.scatter.add.f32 [tilespmem:s11], [sflag:$0x1], $0x10, s31, s10, $0xb8;
	[tilespmem:$0xB720] =	vst v63  }
0x22: {  	_ =	swait.ge [sflag:s9], $0x1900  }
0x23: {  	s13 =	simm.s32 $0x640;
	[sflag:s9] =	ssyncset.done $0x0  }
.LBB2_6:
0x24: {  	s14 =	sshra.s32 s13, $0x2;
	[sflag:s9] =	ssyncadd.s32 $0xFFFFE700;
	p0 =	sne.s32 s13, $0x13240  }
0x25: {  	[spmem:s2] =	stream.indirect.scatter.add.f32 [tilespmem:s11], [sflag:$0x1], $0x10, s14, s10, $0xb8;
	[tilespmem:$0xB720] =	vst v63  }
.Ltmp2:
0x26: {  	_ = 	snop;
	(pc) =	sbr.rel @p0 .LBB2_6-.Ltmp2, $4  }
0x27: {  	_ = 	snop  }
0x28: {  	s13 =	sadd.s32 $0x640, s13  }
0x29: {  	_ =	swait.ge [sflag:s9], $0x1900  }
0x2a: {  	[sflag:s9] =	ssyncset.done $0x0  }
0x2b: {  	[sflag:s9] =	ssyncadd.s32 $0xFFFFE700  }
0x2c: {  	[bflag:$0x0] =	sbarrier.arrive $0xFFFF  }
0x2d: {  	[tilespmem:s8], [sflag:$0x1] =	stream.linear.gather [spmem:s4], $0x2800, $0x38;
	[tilespmem:$0xB720] =	vst v63  }
0x2e: {  	s12 =	sadd.s32 $0x1, s12;
	_ =	swait.ge [sflag:s9], $0x2800  }
0x2f: {  	p0 =	sne.s32 s12, s7;
	[sflag:s9] =	ssyncset.done $0x0  }
.Ltmp3:
0x30: {  	[sflag:s9] =	ssyncadd.s32 $0xFFFFD800;
	(pc) =	sbr.rel @p0 .LBB2_1-.Ltmp3, $4  }
0x31: {  	[hbm4b:s6+s3] =	stream.linear.scatter [tilespmem:s8], [sflag:$0x1], $0x2800, $0x38;
	[tilespmem:$0xB720] =	vst v63  }
0x32: {  	_ =	swait.ge [sflag:s9], $0x2800  }
0x33: {  	[sflag:s9] =	ssyncset.done $0x0  }
0x34: {  	[sflag:s9] =	ssyncadd.s32 $0xFFFFD800  }
0x35: {  	_ =	sfence.sel $0x180000  }
0x36: {  	[bflag:$0x0] =	sbarrier.arrive $0xFFFF  }
0x37: {  	p0 =	sne.s32 s0, $0x0;
	_ =	strace $0x90000047  }
0x38: {  	s0 =	sadd.s32 @!p0 $0x100000, s1;
	[bflag:$0x2] =	sbarrier.arrive $0xFFFF  }
0x39: {  	[sflag:s0] =	ssyncadd.tile.s32 @!p0 $0x1;
	_ =	shalt  }
.Lfunc_end2:
_tile_overlayer_lowered:
.L_overlay_start_2:
0x3a: {  	(tag) =	ssettag $0x2  }
0x3b: {  	s0 =	rddreg [dreg:$0x0];
	s2 =	stileid.u32  }
0x3c: {  	s1 =	rddreg [dreg:$0x1];
	p0 =	sne.s32 s2, $0x0  }
0x3d: {  	s3 =	rddreg [dreg:$0x2];
	[bflag:$0x3] =	sbarrier.arrive $0xFFFF;
	s2 =	simm.s32 @!p0 $0x1C01  }
0x3e: {  	[timem:s3], [sflag:s2] =	dma.local @!p0 [hbm:s0], s1  }
0x3f: {  	s0 =	simm.s32 @!p0 $0x1  }
0x40: {  	_ =	swait.ge @!p0 [sflag:s0], s1  }
0x41: {  	s1 =	ssub.s32 @!p0 $0x0, s1;
	[sflag:s0] =	ssyncset.done @!p0 $0x0  }
0x42: {  	[sflag:s0] =	ssyncadd.s32 @!p0 s1  }
0x43: {  	[bflag:$0x3] =	sbarrier.arrive $0xFFFF  }
0x44: {  	_ =	shalt  }

</sc_bundles>
